<compile_context>
chip_gen: v7x
topology: tpu7x:2x2x1
jax: 0.10.2.dev20260603
libtpu: 0.0.44.dev20260713+nightly
codegen_flags: <defaults>
</compile_context>

<pallas_src>
import jax
import jax.numpy as jnp
from jax import lax
from jax.experimental import pallas as pl
from jax.experimental.pallas import tpu as pltpu
from jax.experimental.pallas import tpu_sc as plsc

NC = 2
NS = 16
NW = NC * NS
L = 16

ROWS = 100000
DIM = 128
BATCH = 16384

GRANULE = 16
NGRAN = ROWS // GRANULE
GPW = NGRAN // NW
EXTRA = NGRAN - GPW * NW
CHUNK_G = 8
CHUNK_ROWS = CHUNK_G * GRANULE
VPC = CHUNK_ROWS // L
CP_G = 16
CP_ROWS = CP_G * GRANULE
N_CP = GPW // CP_G
N_CP_PAIRS = N_CP // 2
BPW = BATCH // NW
PREV_CHUNKS = BPW // CHUNK_ROWS
MIN_ROWS = GPW * GRANULE
MAX_OWN = (GPW + 1) * GRANULE
MAX_CHUNKS = (MAX_OWN + CHUNK_ROWS - 1) // CHUNK_ROWS + 1
UNROLL = 4


def _body(mem_hbm, lu_hbm, val_hbm, ts_hbm, nodes_hbm,
          newmem_hbm, newlu_hbm, prev_hbm,
          nodes_v, ts_v, mn_v, mi_v, mnc_v, win_v, lu_v,
          rows_a, rows_b, sem_a, sem_b, sem_oa, sem_ob, sem_s):
    i32 = jnp.int32
    w = lax.axis_index("s") * NC + lax.axis_index("c")
    base_g = GPW * w + jnp.minimum(w, EXTRA)
    n_g = GPW + jnp.where(w < EXTRA, 1, 0)
    base_row = base_g * GRANULE
    n_rows = n_g * GRANULE
    iota16 = lax.iota(i32, L)

    c_nodes = pltpu.async_copy(nodes_hbm, nodes_v, sem_a)
    c_ts = pltpu.async_copy(ts_hbm, ts_v, sem_s)
    c_lu = pltpu.async_copy(lu_hbm.at[pl.ds(base_row, MIN_ROWS)],
                            lu_v.at[pl.ds(0, MIN_ROWS)], sem_s)
    lu_tail = jnp.minimum(base_row + MIN_ROWS, ROWS - GRANULE)
    c_lut = pltpu.async_copy(lu_hbm.at[pl.ds(lu_tail, GRANULE)],
                             lu_v.at[pl.ds(MIN_ROWS, GRANULE)], sem_s)
    c_nodes.wait()

    bbase = BPW * w

    def prev_in(k, buf, sem):
        idx = nodes_v.at[pl.ds(bbase + CHUNK_ROWS * k, CHUNK_ROWS)]
        return pltpu.async_copy(mem_hbm.at[idx], buf.at[pl.ds(0, CHUNK_ROWS)], sem)

    def prev_out(k, buf, sem):
        return pltpu.async_copy(
            buf.at[pl.ds(0, CHUNK_ROWS)],
            prev_hbm.at[pl.ds(bbase + CHUNK_ROWS * k, CHUNK_ROWS)], sem)

    g0 = prev_in(0, rows_a, sem_a)
    g0.wait()
    g1 = prev_in(1, rows_b, sem_b)
    o0 = prev_out(0, rows_a, sem_oa)
    g1.wait()
    o1 = prev_out(1, rows_b, sem_ob)
    o0.wait()
    g2 = prev_in(2, rows_a, sem_a)
    g2.wait()
    o1.wait()
    g3 = prev_in(3, rows_b, sem_b)
    o2 = prev_out(2, rows_a, sem_oa)
    g3.wait()
    o3 = prev_out(3, rows_b, sem_ob)
    o2.wait()
    o3.wait()

    def cp_in(r, buf, sem):
        return pltpu.async_copy(mem_hbm.at[pl.ds(r, CP_ROWS)], buf, sem)

    def cp_out(r, buf, sem):
        return pltpu.async_copy(buf, newmem_hbm.at[pl.ds(r, CP_ROWS)], sem)

    cp_in(base_row, rows_a, sem_a)

    def copy_pair(p, _):
        r0 = base_row + CP_ROWS * 2 * p
        r1 = r0 + CP_ROWS
        pltpu.make_async_copy(mem_hbm.at[pl.ds(r0, CP_ROWS)], rows_a,
                              sem_a).wait()

        @pl.when(p > 0)
        def _():
            pltpu.make_async_copy(
                rows_b, newmem_hbm.at[pl.ds(r0 - CP_ROWS, CP_ROWS)],
                sem_ob).wait()

        cp_in(r1, rows_b, sem_b)
        cp_out(r0, rows_a, sem_oa)
        pltpu.make_async_copy(mem_hbm.at[pl.ds(r1, CP_ROWS)], rows_b,
                              sem_b).wait()
        pltpu.make_async_copy(rows_a, newmem_hbm.at[pl.ds(r0, CP_ROWS)],
                              sem_oa).wait()

        @pl.when(p < N_CP_PAIRS - 1)
        def _():
            cp_in(r1 + CP_ROWS, rows_a, sem_a)

        cp_out(r1, rows_b, sem_ob)
        return 0

    lax.fori_loop(0, N_CP_PAIRS, copy_pair, 0)
    pltpu.make_async_copy(
        rows_b,
        newmem_hbm.at[pl.ds(base_row + CP_ROWS * (N_CP - 1), CP_ROWS)],
        sem_ob).wait()

    def copy_tail(t, _):
        r = base_row + N_CP * CP_ROWS + GRANULE * t
        pltpu.async_copy(mem_hbm.at[pl.ds(r, GRANULE)],
                         rows_a.at[pl.ds(0, GRANULE)], sem_a).wait()
        pltpu.async_copy(rows_a.at[pl.ds(0, GRANULE)],
                         newmem_hbm.at[pl.ds(r, GRANULE)], sem_a).wait()
        return 0

    lax.fori_loop(0, n_g - N_CP * CP_G, copy_tail, 0)

    c_ts.wait()
    c_lu.wait()
    c_lut.wait()

    def win_init(t, _):
        win_v[pl.ds(L * t, L)] = jnp.full((L,), -1, i32)
        return 0

    lax.fori_loop(0, n_g, win_init, 0)

    def win_scan(q, _):
        for u in range(UNROLL):
            k = UNROLL * q + u
            n16 = nodes_v[pl.ds(L * k, L)]
            loc = n16 - base_row
            m = plsc.bitcast(loc, jnp.uint32) < n_rows.astype(jnp.uint32)
            n_sel = jnp.where(m, n16, -1)
            _, last = plsc.scan_count(n_sel)
            plsc.store_scatter(win_v, [jnp.clip(loc, 0, n_rows - 1)],
                               iota16 + L * k, mask=m & last)
        return 0

    lax.fori_loop(0, BATCH // L // UNROLL, win_scan, 0)

    def comp(t, off):
        wv = win_v[pl.ds(L * t, L)]
        m = wv >= 0
        mi = m.astype(i32)
        c = plsc.cumsum(mi)
        tgt = jnp.maximum(off + c - 1, 0)
        plsc.store_scatter(mi_v, [tgt], wv, mask=m)
        plsc.store_scatter(mn_v, [tgt], base_row + L * t + iota16, mask=m)
        return off + c[L - 1]

    nuniq = lax.fori_loop(0, n_g, comp, jnp.int32(0))
    n_chunks = (nuniq + CHUNK_ROWS - 1) // CHUNK_ROWS

    @pl.when(nuniq > 0)
    def _():
        lastn = plsc.load_gather(mn_v, [jnp.full((L,), nuniq - 1, i32)])
        lasti = plsc.load_gather(mi_v, [jnp.full((L,), nuniq - 1, i32)])
        for t in range(VPC):
            plsc.store_scatter(mn_v, [nuniq + L * t + iota16], lastn)
            plsc.store_scatter(mi_v, [nuniq + L * t + iota16], lasti)

    def prep(k, _):
        n16 = mn_v[pl.ds(L * k, L)]
        wv = mi_v[pl.ds(L * k, L)]
        plsc.store_scatter(
            mnc_v, [jnp.full((L,), k // VPC, i32), (k % VPC) * L + iota16],
            n16)
        tsv = plsc.load_gather(ts_v, [wv])
        plsc.store_scatter(lu_v, [n16 - base_row], tsv)
        return 0

    lax.fori_loop(0, n_chunks * VPC, prep, 0)

    def b_chunk(j, buf, sin, sout):
        @pl.when(j >= 2)
        def _():
            pltpu.make_async_copy(buf.at[pl.ds(0, CHUNK_ROWS)],
                                  newmem_hbm.at[mnc_v.at[j - 2]], sout).wait()

        pltpu.async_copy(
            val_hbm.at[mi_v.at[pl.ds(CHUNK_ROWS * j, CHUNK_ROWS)]],
            buf.at[pl.ds(0, CHUNK_ROWS)], sin).wait()
        pltpu.async_copy(buf.at[pl.ds(0, CHUNK_ROWS)],
                         newmem_hbm.at[mnc_v.at[j]], sout)

    def pass_b(j, _):
        @pl.when(lax.rem(j, 2) == 0)
        def _():
            b_chunk(j, rows_a, sem_a, sem_oa)

        @pl.when(lax.rem(j, 2) == 1)
        def _():
            b_chunk(j, rows_b, sem_b, sem_ob)

        return 0

    lax.fori_loop(0, n_chunks, pass_b, 0)

    def drain_b(j):
        @pl.when(lax.rem(j, 2) == 0)
        def _():
            pltpu.make_async_copy(rows_a.at[pl.ds(0, CHUNK_ROWS)],
                                  newmem_hbm.at[mnc_v.at[j]], sem_oa).wait()

        @pl.when(lax.rem(j, 2) == 1)
        def _():
            pltpu.make_async_copy(rows_b.at[pl.ds(0, CHUNK_ROWS)],
                                  newmem_hbm.at[mnc_v.at[j]], sem_ob).wait()

    @pl.when(n_chunks > 1)
    def _():
        drain_b(n_chunks - 2)

    @pl.when(n_chunks > 0)
    def _():
        drain_b(n_chunks - 1)

    pltpu.async_copy(lu_v.at[pl.ds(0, MIN_ROWS)],
                     newlu_hbm.at[pl.ds(base_row, MIN_ROWS)], sem_oa).wait()

    @pl.when(n_g > GPW)
    def _():
        pltpu.async_copy(lu_v.at[pl.ds(MIN_ROWS, GRANULE)],
                         newlu_hbm.at[pl.ds(base_row + MIN_ROWS, GRANULE)],
                         sem_ob).wait()


@jax.jit
def kernel(memory, last_update, values, ts, nodes):
    mesh = plsc.VectorSubcoreMesh(core_axis_name="c", subcore_axis_name="s",
                                  num_cores=NC, num_subcores=NS)
    out_type = (
        jax.ShapeDtypeStruct((ROWS, DIM), jnp.float32),
        jax.ShapeDtypeStruct((ROWS,), jnp.float32),
        jax.ShapeDtypeStruct((BATCH, DIM), jnp.float32),
    )
    scratch = [
        pltpu.VMEM((BATCH,), jnp.int32),
        pltpu.VMEM((BATCH,), jnp.float32),
        pltpu.VMEM((MAX_OWN + CHUNK_ROWS,), jnp.int32),
        pltpu.VMEM((MAX_OWN + CHUNK_ROWS,), jnp.int32),
        pltpu.VMEM((MAX_CHUNKS, CHUNK_ROWS), jnp.int32),
        pltpu.VMEM((MAX_OWN,), jnp.int32),
        pltpu.VMEM((MAX_OWN,), jnp.float32),
        pltpu.VMEM((CP_ROWS, DIM), jnp.float32),
        pltpu.VMEM((CP_ROWS, DIM), jnp.float32),
        pltpu.SemaphoreType.DMA,
        pltpu.SemaphoreType.DMA,
        pltpu.SemaphoreType.DMA,
        pltpu.SemaphoreType.DMA,
        pltpu.SemaphoreType.DMA,
    ]
    cp = pltpu.CompilerParams(needs_layout_passes=False)
    f = pl.kernel(_body, out_type=out_type, mesh=mesh, scratch_types=scratch,
                  compiler_params=cp)
    return f(memory, last_update, values.astype(jnp.float32),
             ts.astype(jnp.float32), nodes.astype(jnp.int32))

# --- scband reference (transcript-rebuilt; emitter-appended) ---
"""Pipeline reference for scband-memory-28991029248519 (READ-ONLY COPY).

The authoritative reference and input builder live on the scoring server;
editing this copy changes nothing except your own understanding.
"""

import jax, jax.numpy as jnp
import numpy as np

NUM_NODES = 100000
MEM_DIM = 128
BATCH = 16384


def setup_inputs(seed: int = 0) -> dict:
    key = jax.random.key(seed)
    k1, k2, k3, k4 = jax.random.split(key, 4)
    memory = jax.random.normal(k1, (NUM_NODES, MEM_DIM), dtype=jnp.float32)
    last_update = jnp.zeros((NUM_NODES,), dtype=jnp.float32)
    values = jax.random.normal(k2, (BATCH, MEM_DIM), dtype=jnp.float32)
    ts = jax.random.uniform(k3, (BATCH,), dtype=jnp.float32)
    nodes = jax.random.randint(k4, (BATCH,), 0, NUM_NODES)
    return {"memory": memory, "last_update": last_update, "values": values, "ts": ts, "nodes": nodes}


def reference(memory, last_update, values, ts, nodes):
    # get_memory(nodes): row gather from the memory table
    prev_memory = jnp.take(memory, nodes, axis=0)
    # set_memory(nodes, values): scatter-overwrite rows of the memory table
    new_memory = memory.at[nodes].set(values)
    # set_last_update(nodes, ts): scatter-overwrite timestamps
    new_last_update = last_update.at[nodes].set(ts)
    return new_memory, new_last_update, prev_memory

if __name__ == "__main__":
    import jax
    _d = setup_inputs()
    print(jax.jit(kernel)(*tuple(_d.values())))

</pallas_src>

<mosaic_0001>
#map = affine_map<(d0, d1) -> (0, 0)>
#map1 = affine_map<(d0, d1) -> (0)>
module attributes {stable_mosaic.version = 14 : i64} {
  func.func @_body(%arg0: i32, %arg1: i32, %arg2: memref<100000x128xf32, #tpu.memory_space<hbm>>, %arg3: memref<100000xf32, #tpu.memory_space<hbm>>, %arg4: memref<16384x128xf32, #tpu.memory_space<hbm>>, %arg5: memref<16384xf32, #tpu.memory_space<hbm>>, %arg6: memref<16384xi32, #tpu.memory_space<hbm>>, %arg7: memref<100000x128xf32, #tpu.memory_space<hbm>>, %arg8: memref<100000xf32, #tpu.memory_space<hbm>>, %arg9: memref<16384x128xf32, #tpu.memory_space<hbm>>, %arg10: memref<16384xi32, #tpu.memory_space<vmem>>, %arg11: memref<16384xf32, #tpu.memory_space<vmem>>, %arg12: memref<3264xi32, #tpu.memory_space<vmem>>, %arg13: memref<3264xi32, #tpu.memory_space<vmem>>, %arg14: memref<26x128xi32, #tpu.memory_space<vmem>>, %arg15: memref<3136xi32, #tpu.memory_space<vmem>>, %arg16: memref<3136xf32, #tpu.memory_space<vmem>>, %arg17: memref<256x128xf32, #tpu.memory_space<vmem>>, %arg18: memref<256x128xf32, #tpu.memory_space<vmem>>, %arg19: memref<!tpu.dma_semaphore, #tpu.memory_space<semaphore_mem>>, %arg20: memref<!tpu.dma_semaphore, #tpu.memory_space<semaphore_mem>>, %arg21: memref<!tpu.dma_semaphore, #tpu.memory_space<semaphore_mem>>, %arg22: memref<!tpu.dma_semaphore, #tpu.memory_space<semaphore_mem>>, %arg23: memref<!tpu.dma_semaphore, #tpu.memory_space<semaphore_mem>>) attributes {dimension_semantics = [#tpu.dimension_semantics<core_parallel>, #tpu.dimension_semantics<subcore_parallel>], iteration_bounds = array<i64: 2, 16>, scalar_prefetch = 0 : i64, scratch_operands = 14 : i64, tpu.core_type = #tpu.core_type<sc_vector_subcore>, window_params = [{transform_indices = #map}, {transform_indices = #map1}, {transform_indices = #map}, {transform_indices = #map1}, {transform_indices = #map1}, {transform_indices = #map}, {transform_indices = #map1}, {transform_indices = #map}]} {
    %mul3A = arith.constant 2 : i32
    %mul3A_0 = arith.muli %arg1, %mul3A : i32
    %add3A = arith.addi %mul3A_0, %arg0 : i32
    %mul3A_1 = arith.constant 195 : i32
    %mul3A_2 = arith.muli %mul3A_1, %add3A : i32
    %min3A = arith.constant 10 : i32
    %min3A_3 = arith.minsi %add3A, %min3A : i32
    %add3A_4 = arith.addi %mul3A_2, %min3A_3 : i32
    %lt3A = arith.constant 10 : i32
    %lt3A_5 = arith.cmpi slt, %add3A, %lt3A : i32
    %jit3A = arith.constant 1 : i32
    %jit3A_6 = arith.constant 0 : i32
    %select_n3A = arith.select %lt3A_5, %jit3A, %jit3A_6 : i32
    %add3A_7 = arith.constant 195 : i32
    %add3A_8 = arith.addi %add3A_7, %select_n3A : i32
    %mul3A_9 = arith.constant 16 : i32
    %mul3A_10 = arith.muli %add3A_4, %mul3A_9 : i32
    %mul3A_11 = arith.constant 16 : i32
    %mul3A_12 = arith.muli %add3A_8, %mul3A_11 : i32
    %iota3A = tpu.iota {dimensions = array<i32: 0>} : vector<16xi32>
    tpu.enqueue_dma source(%arg6 : memref<16384xi32, #tpu.memory_space<hbm>>) target(%arg10 : memref<16384xi32, #tpu.memory_space<vmem>>) target_semaphore(%arg19 : memref<!tpu.dma_semaphore, #tpu.memory_space<semaphore_mem>>)
    tpu.enqueue_dma source(%arg5 : memref<16384xf32, #tpu.memory_space<hbm>>) target(%arg11 : memref<16384xf32, #tpu.memory_space<vmem>>) target_semaphore(%arg23 : memref<!tpu.dma_semaphore, #tpu.memory_space<semaphore_mem>>)
    %dma_start3A = arith.constant 0 : i32
    %dma_start3A_13 = tpu.memref_slice %arg16[%dma_start3A] : memref<3136xf32, #tpu.memory_space<vmem>> -> memref<3120xf32, #tpu.memory_space<vmem>>
    %dma_start3A_14 = tpu.memref_slice %arg3[%mul3A_10] : memref<100000xf32, #tpu.memory_space<hbm>> -> memref<3120xf32, #tpu.memory_space<hbm>>
    %dma_start3A_15 = arith.constant 0 : i32
    %dma_start3A_16 = tpu.memref_slice %arg16[%dma_start3A_15] : memref<3136xf32, #tpu.memory_space<vmem>> -> memref<3120xf32, #tpu.memory_space<vmem>>
    %dma_start3A_17 = tpu.memref_slice %arg3[%mul3A_10] : memref<100000xf32, #tpu.memory_space<hbm>> -> memref<3120xf32, #tpu.memory_space<hbm>>
    tpu.enqueue_dma source(%dma_start3A_17 : memref<3120xf32, #tpu.memory_space<hbm>>) target(%dma_start3A_16 : memref<3120xf32, #tpu.memory_space<vmem>>) target_semaphore(%arg23 : memref<!tpu.dma_semaphore, #tpu.memory_space<semaphore_mem>>)
    %add3A_18 = arith.constant 3120 : i32
    %add3A_19 = arith.addi %mul3A_10, %add3A_18 : i32
    %min3A_20 = arith.constant 99984 : i32
    %min3A_21 = arith.minsi %add3A_19, %min3A_20 : i32
    %dma_start3A_22 = arith.constant 3120 : i32
    %dma_start3A_23 = tpu.memref_slice %arg16[%dma_start3A_22] : memref<3136xf32, #tpu.memory_space<vmem>> -> memref<16xf32, #tpu.memory_space<vmem>>
    %dma_start3A_24 = tpu.memref_slice %arg3[%min3A_21] : memref<100000xf32, #tpu.memory_space<hbm>> -> memref<16xf32, #tpu.memory_space<hbm>>
    %dma_start3A_25 = arith.constant 3120 : i32
    %dma_start3A_26 = tpu.memref_slice %arg16[%dma_start3A_25] : memref<3136xf32, #tpu.memory_space<vmem>> -> memref<16xf32, #tpu.memory_space<vmem>>
    %dma_start3A_27 = tpu.memref_slice %arg3[%min3A_21] : memref<100000xf32, #tpu.memory_space<hbm>> -> memref<16xf32, #tpu.memory_space<hbm>>
    tpu.enqueue_dma source(%dma_start3A_27 : memref<16xf32, #tpu.memory_space<hbm>>) target(%dma_start3A_26 : memref<16xf32, #tpu.memory_space<vmem>>) target_semaphore(%arg23 : memref<!tpu.dma_semaphore, #tpu.memory_space<semaphore_mem>>)
    tpu.wait_dma2 semaphore(%arg19 : memref<!tpu.dma_semaphore, #tpu.memory_space<semaphore_mem>>) src(%arg6 : memref<16384xi32, #tpu.memory_space<hbm>>) dst(%arg10 : memref<16384xi32, #tpu.memory_space<vmem>>)
    %mul3A_28 = arith.constant 512 : i32
    %mul3A_29 = arith.muli %mul3A_28, %add3A : i32
    %add3A_30 = arith.constant 0 : i32
    %add3A_31 = arith.addi %mul3A_29, %add3A_30 : i32
    %dma_start3A_32 = arith.constant 0 : i32
    %dma_start3A_33 = arith.constant 0 : i32
    %dma_start3A_34 = tpu.memref_slice %arg17[%dma_start3A_32, %dma_start3A_33] : memref<256x128xf32, #tpu.memory_space<vmem>> -> memref<128x128xf32, #tpu.memory_space<vmem>>
    %dma_start3A_35 = tpu.memref_slice %arg10[%add3A_31] : memref<16384xi32, #tpu.memory_space<vmem>> -> memref<128xi32, #tpu.memory_space<vmem>>
    %dma_start3A_36 = arith.constant 0 : i32
    %dma_start3A_37 = arith.constant 0 : i32
    %dma_start3A_38 = tpu.memref_slice %arg2[%dma_start3A_36, %dma_start3A_37] : memref<100000x128xf32, #tpu.memory_space<hbm>> -> memref<100000x128xf32, #tpu.memory_space<hbm>>
    tpu.enqueue_indirect_dma source(%dma_start3A_38 : memref<100000x128xf32, #tpu.memory_space<hbm>>) target(%dma_start3A_34 : memref<128x128xf32, #tpu.memory_space<vmem>>) offsets(%dma_start3A_35 : memref<128xi32, #tpu.memory_space<vmem>>) semaphore(%arg19 : memref<!tpu.dma_semaphore, #tpu.memory_space<semaphore_mem>>)
    %dma_wait3A = arith.constant 0 : i32
    %dma_wait3A_39 = arith.constant 0 : i32
    %dma_wait3A_40 = tpu.memref_slice %arg17[%dma_wait3A, %dma_wait3A_39] : memref<256x128xf32, #tpu.memory_space<vmem>> -> memref<128x128xf32, #tpu.memory_space<vmem>>
    %dma_wait3A_41 = tpu.memref_slice %arg10[%add3A_31] : memref<16384xi32, #tpu.memory_space<vmem>> -> memref<128xi32, #tpu.memory_space<vmem>>
    %dma_wait3A_42 = arith.constant 0 : i32
    %dma_wait3A_43 = arith.constant 0 : i32
    %dma_wait3A_44 = tpu.memref_slice %arg2[%dma_wait3A_42, %dma_wait3A_43] : memref<100000x128xf32, #tpu.memory_space<hbm>> -> memref<100000x128xf32, #tpu.memory_space<hbm>>
    tpu.wait_indirect_dma semaphore(%arg19 : memref<!tpu.dma_semaphore, #tpu.memory_space<semaphore_mem>>) src(%dma_wait3A_44 : memref<100000x128xf32, #tpu.memory_space<hbm>>) dst(%dma_wait3A_40 : memref<128x128xf32, #tpu.memory_space<vmem>>)
    %add3A_45 = arith.constant 128 : i32
    %add3A_46 = arith.addi %mul3A_29, %add3A_45 : i32
    %dma_start3A_47 = arith.constant 0 : i32
    %dma_start3A_48 = arith.constant 0 : i32
    %dma_start3A_49 = tpu.memref_slice %arg18[%dma_start3A_47, %dma_start3A_48] : memref<256x128xf32, #tpu.memory_space<vmem>> -> memref<128x128xf32, #tpu.memory_space<vmem>>
    %dma_start3A_50 = tpu.memref_slice %arg10[%add3A_46] : memref<16384xi32, #tpu.memory_space<vmem>> -> memref<128xi32, #tpu.memory_space<vmem>>
    %dma_start3A_51 = arith.constant 0 : i32
    %dma_start3A_52 = arith.constant 0 : i32
    %dma_start3A_53 = tpu.memref_slice %arg2[%dma_start3A_51, %dma_start3A_52] : memref<100000x128xf32, #tpu.memory_space<hbm>> -> memref<100000x128xf32, #tpu.memory_space<hbm>>
    tpu.enqueue_indirect_dma source(%dma_start3A_53 : memref<100000x128xf32, #tpu.memory_space<hbm>>) target(%dma_start3A_49 : memref<128x128xf32, #tpu.memory_space<vmem>>) offsets(%dma_start3A_50 : memref<128xi32, #tpu.memory_space<vmem>>) semaphore(%arg20 : memref<!tpu.dma_semaphore, #tpu.memory_space<semaphore_mem>>)
    %add3A_54 = arith.constant 0 : i32
    %add3A_55 = arith.addi %mul3A_29, %add3A_54 : i32
    %dma_start3A_56 = arith.constant 0 : i32
    %dma_start3A_57 = arith.constant 0 : i32
    %dma_start3A_58 = tpu.memref_slice %arg17[%dma_start3A_56, %dma_start3A_57] : memref<256x128xf32, #tpu.memory_space<vmem>> -> memref<128x128xf32, #tpu.memory_space<vmem>>
    %dma_start3A_59 = arith.constant 0 : i32
    %dma_start3A_60 = tpu.memref_slice %arg9[%add3A_55, %dma_start3A_59] : memref<16384x128xf32, #tpu.memory_space<hbm>> -> memref<128x128xf32, #tpu.memory_space<hbm>>
    %dma_start3A_61 = arith.constant 0 : i32
    %dma_start3A_62 = tpu.memref_slice %arg9[%add3A_55, %dma_start3A_61] : memref<16384x128xf32, #tpu.memory_space<hbm>> -> memref<128x128xf32, #tpu.memory_space<hbm>>
    %dma_start3A_63 = arith.constant 0 : i32
    %dma_start3A_64 = arith.constant 0 : i32
    %dma_start3A_65 = tpu.memref_slice %arg17[%dma_start3A_63, %dma_start3A_64] : memref<256x128xf32, #tpu.memory_space<vmem>> -> memref<128x128xf32, #tpu.memory_space<vmem>>
    tpu.enqueue_dma source(%dma_start3A_65 : memref<128x128xf32, #tpu.memory_space<vmem>>) target(%dma_start3A_62 : memref<128x128xf32, #tpu.memory_space<hbm>>) target_semaphore(%arg21 : memref<!tpu.dma_semaphore, #tpu.memory_space<semaphore_mem>>)
    %dma_wait3A_66 = arith.constant 0 : i32
    %dma_wait3A_67 = arith.constant 0 : i32
    %dma_wait3A_68 = tpu.memref_slice %arg18[%dma_wait3A_66, %dma_wait3A_67] : memref<256x128xf32, #tpu.memory_space<vmem>> -> memref<128x128xf32, #tpu.memory_space<vmem>>
    %dma_wait3A_69 = tpu.memref_slice %arg10[%add3A_46] : memref<16384xi32, #tpu.memory_space<vmem>> -> memref<128xi32, #tpu.memory_space<vmem>>
    %dma_wait3A_70 = arith.constant 0 : i32
    %dma_wait3A_71 = arith.constant 0 : i32
    %dma_wait3A_72 = tpu.memref_slice %arg2[%dma_wait3A_70, %dma_wait3A_71] : memref<100000x128xf32, #tpu.memory_space<hbm>> -> memref<100000x128xf32, #tpu.memory_space<hbm>>
    tpu.wait_indirect_dma semaphore(%arg20 : memref<!tpu.dma_semaphore, #tpu.memory_space<semaphore_mem>>) src(%dma_wait3A_72 : memref<100000x128xf32, #tpu.memory_space<hbm>>) dst(%dma_wait3A_68 : memref<128x128xf32, #tpu.memory_space<vmem>>)
    %add3A_73 = arith.constant 128 : i32
    %add3A_74 = arith.addi %mul3A_29, %add3A_73 : i32
    %dma_start3A_75 = arith.constant 0 : i32
    %dma_start3A_76 = arith.constant 0 : i32
    %dma_start3A_77 = tpu.memref_slice %arg18[%dma_start3A_75, %dma_start3A_76] : memref<256x128xf32, #tpu.memory_space<vmem>> -> memref<128x128xf32, #tpu.memory_space<vmem>>
    %dma_start3A_78 = arith.constant 0 : i32
    %dma_start3A_79 = tpu.memref_slice %arg9[%add3A_74, %dma_start3A_78] : memref<16384x128xf32, #tpu.memory_space<hbm>> -> memref<128x128xf32, #tpu.memory_space<hbm>>
    %dma_start3A_80 = arith.constant 0 : i32
    %dma_start3A_81 = tpu.memref_slice %arg9[%add3A_74, %dma_start3A_80] : memref<16384x128xf32, #tpu.memory_space<hbm>> -> memref<128x128xf32, #tpu.memory_space<hbm>>
    %dma_start3A_82 = arith.constant 0 : i32
    %dma_start3A_83 = arith.constant 0 : i32
    %dma_start3A_84 = tpu.memref_slice %arg18[%dma_start3A_82, %dma_start3A_83] : memref<256x128xf32, #tpu.memory_space<vmem>> -> memref<128x128xf32, #tpu.memory_space<vmem>>
    tpu.enqueue_dma source(%dma_start3A_84 : memref<128x128xf32, #tpu.memory_space<vmem>>) target(%dma_start3A_81 : memref<128x128xf32, #tpu.memory_space<hbm>>) target_semaphore(%arg22 : memref<!tpu.dma_semaphore, #tpu.memory_space<semaphore_mem>>)
    %dma_wait3A_85 = arith.constant 0 : i32
    %dma_wait3A_86 = arith.constant 0 : i32
    %dma_wait3A_87 = tpu.memref_slice %arg17[%dma_wait3A_85, %dma_wait3A_86] : memref<256x128xf32, #tpu.memory_space<vmem>> -> memref<128x128xf32, #tpu.memory_space<vmem>>
    %dma_wait3A_88 = arith.constant 0 : i32
    %dma_wait3A_89 = tpu.memref_slice %arg9[%add3A_55, %dma_wait3A_88] : memref<16384x128xf32, #tpu.memory_space<hbm>> -> memref<128x128xf32, #tpu.memory_space<hbm>>
    %dma_wait3A_90 = arith.constant 0 : i32
    %dma_wait3A_91 = tpu.memref_slice %arg9[%add3A_55, %dma_wait3A_90] : memref<16384x128xf32, #tpu.memory_space<hbm>> -> memref<128x128xf32, #tpu.memory_space<hbm>>
    %dma_wait3A_92 = arith.constant 0 : i32
    %dma_wait3A_93 = arith.constant 0 : i32
    %dma_wait3A_94 = tpu.memref_slice %arg17[%dma_wait3A_92, %dma_wait3A_93] : memref<256x128xf32, #tpu.memory_space<vmem>> -> memref<128x128xf32, #tpu.memory_space<vmem>>
    tpu.wait_dma2 semaphore(%arg21 : memref<!tpu.dma_semaphore, #tpu.memory_space<semaphore_mem>>) src(%dma_wait3A_94 : memref<128x128xf32, #tpu.memory_space<vmem>>) dst(%dma_wait3A_91 : memref<128x128xf32, #tpu.memory_space<hbm>>)
    %add3A_95 = arith.constant 256 : i32
    %add3A_96 = arith.addi %mul3A_29, %add3A_95 : i32
    %dma_start3A_97 = arith.constant 0 : i32
    %dma_start3A_98 = arith.constant 0 : i32
    %dma_start3A_99 = tpu.memref_slice %arg17[%dma_start3A_97, %dma_start3A_98] : memref<256x128xf32, #tpu.memory_space<vmem>> -> memref<128x128xf32, #tpu.memory_space<vmem>>
    %dma_start3A_100 = tpu.memref_slice %arg10[%add3A_96] : memref<16384xi32, #tpu.memory_space<vmem>> -> memref<128xi32, #tpu.memory_space<vmem>>
    %dma_start3A_101 = arith.constant 0 : i32
    %dma_start3A_102 = arith.constant 0 : i32
    %dma_start3A_103 = tpu.memref_slice %arg2[%dma_start3A_101, %dma_start3A_102] : memref<100000x128xf32, #tpu.memory_space<hbm>> -> memref<100000x128xf32, #tpu.memory_space<hbm>>
    tpu.enqueue_indirect_dma source(%dma_start3A_103 : memref<100000x128xf32, #tpu.memory_space<hbm>>) target(%dma_start3A_99 : memref<128x128xf32, #tpu.memory_space<vmem>>) offsets(%dma_start3A_100 : memref<128xi32, #tpu.memory_space<vmem>>) semaphore(%arg19 : memref<!tpu.dma_semaphore, #tpu.memory_space<semaphore_mem>>)
    %dma_wait3A_104 = arith.constant 0 : i32
    %dma_wait3A_105 = arith.constant 0 : i32
    %dma_wait3A_106 = tpu.memref_slice %arg17[%dma_wait3A_104, %dma_wait3A_105] : memref<256x128xf32, #tpu.memory_space<vmem>> -> memref<128x128xf32, #tpu.memory_space<vmem>>
    %dma_wait3A_107 = tpu.memref_slice %arg10[%add3A_96] : memref<16384xi32, #tpu.memory_space<vmem>> -> memref<128xi32, #tpu.memory_space<vmem>>
    %dma_wait3A_108 = arith.constant 0 : i32
    %dma_wait3A_109 = arith.constant 0 : i32
    %dma_wait3A_110 = tpu.memref_slice %arg2[%dma_wait3A_108, %dma_wait3A_109] : memref<100000x128xf32, #tpu.memory_space<hbm>> -> memref<100000x128xf32, #tpu.memory_space<hbm>>
    tpu.wait_indirect_dma semaphore(%arg19 : memref<!tpu.dma_semaphore, #tpu.memory_space<semaphore_mem>>) src(%dma_wait3A_110 : memref<100000x128xf32, #tpu.memory_space<hbm>>) dst(%dma_wait3A_106 : memref<128x128xf32, #tpu.memory_space<vmem>>)
    %dma_wait3A_111 = arith.constant 0 : i32
    %dma_wait3A_112 = arith.constant 0 : i32
    %dma_wait3A_113 = tpu.memref_slice %arg18[%dma_wait3A_111, %dma_wait3A_112] : memref<256x128xf32, #tpu.memory_space<vmem>> -> memref<128x128xf32, #tpu.memory_space<vmem>>
    %dma_wait3A_114 = arith.constant 0 : i32
    %dma_wait3A_115 = tpu.memref_slice %arg9[%add3A_74, %dma_wait3A_114] : memref<16384x128xf32, #tpu.memory_space<hbm>> -> memref<128x128xf32, #tpu.memory_space<hbm>>
    %dma_wait3A_116 = arith.constant 0 : i32
    %dma_wait3A_117 = tpu.memref_slice %arg9[%add3A_74, %dma_wait3A_116] : memref<16384x128xf32, #tpu.memory_space<hbm>> -> memref<128x128xf32, #tpu.memory_space<hbm>>
    %dma_wait3A_118 = arith.constant 0 : i32
    %dma_wait3A_119 = arith.constant 0 : i32
    %dma_wait3A_120 = tpu.memref_slice %arg18[%dma_wait3A_118, %dma_wait3A_119] : memref<256x128xf32, #tpu.memory_space<vmem>> -> memref<128x128xf32, #tpu.memory_space<vmem>>
    tpu.wait_dma2 semaphore(%arg22 : memref<!tpu.dma_semaphore, #tpu.memory_space<semaphore_mem>>) src(%dma_wait3A_120 : memref<128x128xf32, #tpu.memory_space<vmem>>) dst(%dma_wait3A_117 : memref<128x128xf32, #tpu.memory_space<hbm>>)
    %add3A_121 = arith.constant 384 : i32
    %add3A_122 = arith.addi %mul3A_29, %add3A_121 : i32
    %dma_start3A_123 = arith.constant 0 : i32
    %dma_start3A_124 = arith.constant 0 : i32
    %dma_start3A_125 = tpu.memref_slice %arg18[%dma_start3A_123, %dma_start3A_124] : memref<256x128xf32, #tpu.memory_space<vmem>> -> memref<128x128xf32, #tpu.memory_space<vmem>>
    %dma_start3A_126 = tpu.memref_slice %arg10[%add3A_122] : memref<16384xi32, #tpu.memory_space<vmem>> -> memref<128xi32, #tpu.memory_space<vmem>>
    %dma_start3A_127 = arith.constant 0 : i32
    %dma_start3A_128 = arith.constant 0 : i32
    %dma_start3A_129 = tpu.memref_slice %arg2[%dma_start3A_127, %dma_start3A_128] : memref<100000x128xf32, #tpu.memory_space<hbm>> -> memref<100000x128xf32, #tpu.memory_space<hbm>>
    tpu.enqueue_indirect_dma source(%dma_start3A_129 : memref<100000x128xf32, #tpu.memory_space<hbm>>) target(%dma_start3A_125 : memref<128x128xf32, #tpu.memory_space<vmem>>) offsets(%dma_start3A_126 : memref<128xi32, #tpu.memory_space<vmem>>) semaphore(%arg20 : memref<!tpu.dma_semaphore, #tpu.memory_space<semaphore_mem>>)
    %add3A_130 = arith.constant 256 : i32
    %add3A_131 = arith.addi %mul3A_29, %add3A_130 : i32
    %dma_start3A_132 = arith.constant 0 : i32
    %dma_start3A_133 = arith.constant 0 : i32
    %dma_start3A_134 = tpu.memref_slice %arg17[%dma_start3A_132, %dma_start3A_133] : memref<256x128xf32, #tpu.memory_space<vmem>> -> memref<128x128xf32, #tpu.memory_space<vmem>>
    %dma_start3A_135 = arith.constant 0 : i32
    %dma_start3A_136 = tpu.memref_slice %arg9[%add3A_131, %dma_start3A_135] : memref<16384x128xf32, #tpu.memory_space<hbm>> -> memref<128x128xf32, #tpu.memory_space<hbm>>
    %dma_start3A_137 = arith.constant 0 : i32
    %dma_start3A_138 = tpu.memref_slice %arg9[%add3A_131, %dma_start3A_137] : memref<16384x128xf32, #tpu.memory_space<hbm>> -> memref<128x128xf32, #tpu.memory_space<hbm>>
    %dma_start3A_139 = arith.constant 0 : i32
    %dma_start3A_140 = arith.constant 0 : i32
    %dma_start3A_141 = tpu.memref_slice %arg17[%dma_start3A_139, %dma_start3A_140] : memref<256x128xf32, #tpu.memory_space<vmem>> -> memref<128x128xf32, #tpu.memory_space<vmem>>
    tpu.enqueue_dma source(%dma_start3A_141 : memref<128x128xf32, #tpu.memory_space<vmem>>) target(%dma_start3A_138 : memref<128x128xf32, #tpu.memory_space<hbm>>) target_semaphore(%arg21 : memref<!tpu.dma_semaphore, #tpu.memory_space<semaphore_mem>>)
    %dma_wait3A_142 = arith.constant 0 : i32
    %dma_wait3A_143 = arith.constant 0 : i32
    %dma_wait3A_144 = tpu.memref_slice %arg18[%dma_wait3A_142, %dma_wait3A_143] : memref<256x128xf32, #tpu.memory_space<vmem>> -> memref<128x128xf32, #tpu.memory_space<vmem>>
    %dma_wait3A_145 = tpu.memref_slice %arg10[%add3A_122] : memref<16384xi32, #tpu.memory_space<vmem>> -> memref<128xi32, #tpu.memory_space<vmem>>
    %dma_wait3A_146 = arith.constant 0 : i32
    %dma_wait3A_147 = arith.constant 0 : i32
    %dma_wait3A_148 = tpu.memref_slice %arg2[%dma_wait3A_146, %dma_wait3A_147] : memref<100000x128xf32, #tpu.memory_space<hbm>> -> memref<100000x128xf32, #tpu.memory_space<hbm>>
    tpu.wait_indirect_dma semaphore(%arg20 : memref<!tpu.dma_semaphore, #tpu.memory_space<semaphore_mem>>) src(%dma_wait3A_148 : memref<100000x128xf32, #tpu.memory_space<hbm>>) dst(%dma_wait3A_144 : memref<128x128xf32, #tpu.memory_space<vmem>>)
    %add3A_149 = arith.constant 384 : i32
    %add3A_150 = arith.addi %mul3A_29, %add3A_149 : i32
    %dma_start3A_151 = arith.constant 0 : i32
    %dma_start3A_152 = arith.constant 0 : i32
    %dma_start3A_153 = tpu.memref_slice %arg18[%dma_start3A_151, %dma_start3A_152] : memref<256x128xf32, #tpu.memory_space<vmem>> -> memref<128x128xf32, #tpu.memory_space<vmem>>
    %dma_start3A_154 = arith.constant 0 : i32
    %dma_start3A_155 = tpu.memref_slice %arg9[%add3A_150, %dma_start3A_154] : memref<16384x128xf32, #tpu.memory_space<hbm>> -> memref<128x128xf32, #tpu.memory_space<hbm>>
    %dma_start3A_156 = arith.constant 0 : i32
    %dma_start3A_157 = tpu.memref_slice %arg9[%add3A_150, %dma_start3A_156] : memref<16384x128xf32, #tpu.memory_space<hbm>> -> memref<128x128xf32, #tpu.memory_space<hbm>>
    %dma_start3A_158 = arith.constant 0 : i32
    %dma_start3A_159 = arith.constant 0 : i32
    %dma_start3A_160 = tpu.memref_slice %arg18[%dma_start3A_158, %dma_start3A_159] : memref<256x128xf32, #tpu.memory_space<vmem>> -> memref<128x128xf32, #tpu.memory_space<vmem>>
    tpu.enqueue_dma source(%dma_start3A_160 : memref<128x128xf32, #tpu.memory_space<vmem>>) target(%dma_start3A_157 : memref<128x128xf32, #tpu.memory_space<hbm>>) target_semaphore(%arg22 : memref<!tpu.dma_semaphore, #tpu.memory_space<semaphore_mem>>)
    %dma_wait3A_161 = arith.constant 0 : i32
    %dma_wait3A_162 = arith.constant 0 : i32
    %dma_wait3A_163 = tpu.memref_slice %arg17[%dma_wait3A_161, %dma_wait3A_162] : memref<256x128xf32, #tpu.memory_space<vmem>> -> memref<128x128xf32, #tpu.memory_space<vmem>>
    %dma_wait3A_164 = arith.constant 0 : i32
    %dma_wait3A_165 = tpu.memref_slice %arg9[%add3A_131, %dma_wait3A_164] : memref<16384x128xf32, #tpu.memory_space<hbm>> -> memref<128x128xf32, #tpu.memory_space<hbm>>
    %dma_wait3A_166 = arith.constant 0 : i32
    %dma_wait3A_167 = tpu.memref_slice %arg9[%add3A_131, %dma_wait3A_166] : memref<16384x128xf32, #tpu.memory_space<hbm>> -> memref<128x128xf32, #tpu.memory_space<hbm>>
    %dma_wait3A_168 = arith.constant 0 : i32
    %dma_wait3A_169 = arith.constant 0 : i32
    %dma_wait3A_170 = tpu.memref_slice %arg17[%dma_wait3A_168, %dma_wait3A_169] : memref<256x128xf32, #tpu.memory_space<vmem>> -> memref<128x128xf32, #tpu.memory_space<vmem>>
    tpu.wait_dma2 semaphore(%arg21 : memref<!tpu.dma_semaphore, #tpu.memory_space<semaphore_mem>>) src(%dma_wait3A_170 : memref<128x128xf32, #tpu.memory_space<vmem>>) dst(%dma_wait3A_167 : memref<128x128xf32, #tpu.memory_space<hbm>>)
    %dma_wait3A_171 = arith.constant 0 : i32
    %dma_wait3A_172 = arith.constant 0 : i32
    %dma_wait3A_173 = tpu.memref_slice %arg18[%dma_wait3A_171, %dma_wait3A_172] : memref<256x128xf32, #tpu.memory_space<vmem>> -> memref<128x128xf32, #tpu.memory_space<vmem>>
    %dma_wait3A_174 = arith.constant 0 : i32
    %dma_wait3A_175 = tpu.memref_slice %arg9[%add3A_150, %dma_wait3A_174] : memref<16384x128xf32, #tpu.memory_space<hbm>> -> memref<128x128xf32, #tpu.memory_space<hbm>>
    %dma_wait3A_176 = arith.constant 0 : i32
    %dma_wait3A_177 = tpu.memref_slice %arg9[%add3A_150, %dma_wait3A_176] : memref<16384x128xf32, #tpu.memory_space<hbm>> -> memref<128x128xf32, #tpu.memory_space<hbm>>
    %dma_wait3A_178 = arith.constant 0 : i32
    %dma_wait3A_179 = arith.constant 0 : i32
    %dma_wait3A_180 = tpu.memref_slice %arg18[%dma_wait3A_178, %dma_wait3A_179] : memref<256x128xf32, #tpu.memory_space<vmem>> -> memref<128x128xf32, #tpu.memory_space<vmem>>
    tpu.wait_dma2 semaphore(%arg22 : memref<!tpu.dma_semaphore, #tpu.memory_space<semaphore_mem>>) src(%dma_wait3A_180 : memref<128x128xf32, #tpu.memory_space<vmem>>) dst(%dma_wait3A_177 : memref<128x128xf32, #tpu.memory_space<hbm>>)
    %dma_start3A_181 = arith.constant 0 : i32
    %dma_start3A_182 = tpu.memref_slice %arg2[%mul3A_10, %dma_start3A_181] : memref<100000x128xf32, #tpu.memory_space<hbm>> -> memref<256x128xf32, #tpu.memory_space<hbm>>
    %dma_start3A_183 = arith.constant 0 : i32
    %dma_start3A_184 = tpu.memref_slice %arg2[%mul3A_10, %dma_start3A_183] : memref<100000x128xf32, #tpu.memory_space<hbm>> -> memref<256x128xf32, #tpu.memory_space<hbm>>
    tpu.enqueue_dma source(%dma_start3A_184 : memref<256x128xf32, #tpu.memory_space<hbm>>) target(%arg17 : memref<256x128xf32, #tpu.memory_space<vmem>>) target_semaphore(%arg19 : memref<!tpu.dma_semaphore, #tpu.memory_space<semaphore_mem>>)
    %scan3A = arith.constant 0 : i32
    %scan3A_185 = arith.constant 0 : i32
    %scan3A_186 = arith.constant 6 : i32
    %scan3A_187 = arith.addi %scan3A_185, %scan3A_186 : i32
    %scan3A_188 = arith.constant 1 : i32
    %scan3A_189 = scf.for %scan3A_330 = %scan3A_185 to %scan3A_187 step %scan3A_188 iter_args(%scan3A_331 = %scan3A) -> (i32)  : i32 {
      %mul3A_332 = arith.constant 512 : i32
      %mul3A_333 = arith.muli %mul3A_332, %scan3A_330 : i32
      %add3A_334 = arith.addi %mul3A_10, %mul3A_333 : i32
      %add3A_335 = arith.constant 256 : i32
      %add3A_336 = arith.addi %add3A_334, %add3A_335 : i32
      %dma_wait3A_337 = arith.constant 0 : i32
      %dma_wait3A_338 = tpu.memref_slice %arg2[%add3A_334, %dma_wait3A_337] : memref<100000x128xf32, #tpu.memory_space<hbm>> -> memref<256x128xf32, #tpu.memory_space<hbm>>
      %dma_wait3A_339 = arith.constant 0 : i32
      %dma_wait3A_340 = tpu.memref_slice %arg2[%add3A_334, %dma_wait3A_339] : memref<100000x128xf32, #tpu.memory_space<hbm>> -> memref<256x128xf32, #tpu.memory_space<hbm>>
      tpu.wait_dma2 semaphore(%arg19 : memref<!tpu.dma_semaphore, #tpu.memory_space<semaphore_mem>>) src(%dma_wait3A_340 : memref<256x128xf32, #tpu.memory_space<hbm>>) dst(%arg17 : memref<256x128xf32, #tpu.memory_space<vmem>>)
      %gt3A_341 = arith.constant 0 : i32
      %gt3A_342 = arith.cmpi sgt, %scan3A_330, %gt3A_341 : i32
      %convert_element_type3A_343 = arith.extui %gt3A_342 : i1 to i32
      %cond3A_344 = arith.constant 0 : i32
      %cond3A_345 = arith.cmpi ne, %convert_element_type3A_343, %cond3A_344 : i32
      scf.if %cond3A_345 {
        %sub3A_372 = arith.constant 256 : i32
        %sub3A_373 = arith.subi %add3A_334, %sub3A_372 : i32
        %dma_wait3A_374 = arith.constant 0 : i32
        %dma_wait3A_375 = tpu.memref_slice %arg7[%sub3A_373, %dma_wait3A_374] : memref<100000x128xf32, #tpu.memory_space<hbm>> -> memref<256x128xf32, #tpu.memory_space<hbm>>
        %dma_wait3A_376 = arith.constant 0 : i32
        %dma_wait3A_377 = tpu.memref_slice %arg7[%sub3A_373, %dma_wait3A_376] : memref<100000x128xf32, #tpu.memory_space<hbm>> -> memref<256x128xf32, #tpu.memory_space<hbm>>
        tpu.wait_dma2 semaphore(%arg22 : memref<!tpu.dma_semaphore, #tpu.memory_space<semaphore_mem>>) src(%arg18 : memref<256x128xf32, #tpu.memory_space<vmem>>) dst(%dma_wait3A_377 : memref<256x128xf32, #tpu.memory_space<hbm>>)
      } else {
      }
      %dma_start3A_346 = arith.constant 0 : i32
      %dma_start3A_347 = tpu.memref_slice %arg2[%add3A_336, %dma_start3A_346] : memref<100000x128xf32, #tpu.memory_space<hbm>> -> memref<256x128xf32, #tpu.memory_space<hbm>>
      %dma_start3A_348 = arith.constant 0 : i32
      %dma_start3A_349 = tpu.memref_slice %arg2[%add3A_336, %dma_start3A_348] : memref<100000x128xf32, #tpu.memory_space<hbm>> -> memref<256x128xf32, #tpu.memory_space<hbm>>
      tpu.enqueue_dma source(%dma_start3A_349 : memref<256x128xf32, #tpu.memory_space<hbm>>) target(%arg18 : memref<256x128xf32, #tpu.memory_space<vmem>>) target_semaphore(%arg20 : memref<!tpu.dma_semaphore, #tpu.memory_space<semaphore_mem>>)
      %dma_start3A_350 = arith.constant 0 : i32
      %dma_start3A_351 = tpu.memref_slice %arg7[%add3A_334, %dma_start3A_350] : memref<100000x128xf32, #tpu.memory_space<hbm>> -> memref<256x128xf32, #tpu.memory_space<hbm>>
      %dma_start3A_352 = arith.constant 0 : i32
      %dma_start3A_353 = tpu.memref_slice %arg7[%add3A_334, %dma_start3A_352] : memref<100000x128xf32, #tpu.memory_space<hbm>> -> memref<256x128xf32, #tpu.memory_space<hbm>>
      tpu.enqueue_dma source(%arg17 : memref<256x128xf32, #tpu.memory_space<vmem>>) target(%dma_start3A_353 : memref<256x128xf32, #tpu.memory_space<hbm>>) target_semaphore(%arg21 : memref<!tpu.dma_semaphore, #tpu.memory_space<semaphore_mem>>)
      %dma_wait3A_354 = arith.constant 0 : i32
      %dma_wait3A_355 = tpu.memref_slice %arg2[%add3A_336, %dma_wait3A_354] : memref<100000x128xf32, #tpu.memory_space<hbm>> -> memref<256x128xf32, #tpu.memory_space<hbm>>
      %dma_wait3A_356 = arith.constant 0 : i32
      %dma_wait3A_357 = tpu.memref_slice %arg2[%add3A_336, %dma_wait3A_356] : memref<100000x128xf32, #tpu.memory_space<hbm>> -> memref<256x128xf32, #tpu.memory_space<hbm>>
      tpu.wait_dma2 semaphore(%arg20 : memref<!tpu.dma_semaphore, #tpu.memory_space<semaphore_mem>>) src(%dma_wait3A_357 : memref<256x128xf32, #tpu.memory_space<hbm>>) dst(%arg18 : memref<256x128xf32, #tpu.memory_space<vmem>>)
      %dma_wait3A_358 = arith.constant 0 : i32
      %dma_wait3A_359 = tpu.memref_slice %arg7[%add3A_334, %dma_wait3A_358] : memref<100000x128xf32, #tpu.memory_space<hbm>> -> memref<256x128xf32, #tpu.memory_space<hbm>>
      %dma_wait3A_360 = arith.constant 0 : i32
      %dma_wait3A_361 = tpu.memref_slice %arg7[%add3A_334, %dma_wait3A_360] : memref<100000x128xf32, #tpu.memory_space<hbm>> -> memref<256x128xf32, #tpu.memory_space<hbm>>
      tpu.wait_dma2 semaphore(%arg21 : memref<!tpu.dma_semaphore, #tpu.memory_space<semaphore_mem>>) src(%arg17 : memref<256x128xf32, #tpu.memory_space<vmem>>) dst(%dma_wait3A_361 : memref<256x128xf32, #tpu.memory_space<hbm>>)
      %lt3A_362 = arith.constant 5 : i32
      %lt3A_363 = arith.cmpi slt, %scan3A_330, %lt3A_362 : i32
      %convert_element_type3A_364 = arith.extui %lt3A_363 : i1 to i32
      %cond3A_365 = arith.constant 0 : i32
      %cond3A_366 = arith.cmpi ne, %convert_element_type3A_364, %cond3A_365 : i32
      scf.if %cond3A_366 {
        %add3A_372 = arith.constant 256 : i32
        %add3A_373 = arith.addi %add3A_336, %add3A_372 : i32
        %dma_start3A_374 = arith.constant 0 : i32
        %dma_start3A_375 = tpu.memref_slice %arg2[%add3A_373, %dma_start3A_374] : memref<100000x128xf32, #tpu.memory_space<hbm>> -> memref<256x128xf32, #tpu.memory_space<hbm>>
        %dma_start3A_376 = arith.constant 0 : i32
        %dma_start3A_377 = tpu.memref_slice %arg2[%add3A_373, %dma_start3A_376] : memref<100000x128xf32, #tpu.memory_space<hbm>> -> memref<256x128xf32, #tpu.memory_space<hbm>>
        tpu.enqueue_dma source(%dma_start3A_377 : memref<256x128xf32, #tpu.memory_space<hbm>>) target(%arg17 : memref<256x128xf32, #tpu.memory_space<vmem>>) target_semaphore(%arg19 : memref<!tpu.dma_semaphore, #tpu.memory_space<semaphore_mem>>)
      } else {
      }
      %dma_start3A_367 = arith.constant 0 : i32
      %dma_start3A_368 = tpu.memref_slice %arg7[%add3A_336, %dma_start3A_367] : memref<100000x128xf32, #tpu.memory_space<hbm>> -> memref<256x128xf32, #tpu.memory_space<hbm>>
      %dma_start3A_369 = arith.constant 0 : i32
      %dma_start3A_370 = tpu.memref_slice %arg7[%add3A_336, %dma_start3A_369] : memref<100000x128xf32, #tpu.memory_space<hbm>> -> memref<256x128xf32, #tpu.memory_space<hbm>>
      tpu.enqueue_dma source(%arg18 : memref<256x128xf32, #tpu.memory_space<vmem>>) target(%dma_start3A_370 : memref<256x128xf32, #tpu.memory_space<hbm>>) target_semaphore(%arg22 : memref<!tpu.dma_semaphore, #tpu.memory_space<semaphore_mem>>)
      %scan3A_371 = arith.constant 0 : i32
      scf.yield %scan3A_371 : i32
    }
    %scan3A_190 = arith.constant 6 : i32
    %add3A_191 = arith.constant 2816 : i32
    %add3A_192 = arith.addi %mul3A_10, %add3A_191 : i32
    %dma_wait3A_193 = arith.constant 0 : i32
    %dma_wait3A_194 = tpu.memref_slice %arg7[%add3A_192, %dma_wait3A_193] : memref<100000x128xf32, #tpu.memory_space<hbm>> -> memref<256x128xf32, #tpu.memory_space<hbm>>
    %dma_wait3A_195 = arith.constant 0 : i32
    %dma_wait3A_196 = tpu.memref_slice %arg7[%add3A_192, %dma_wait3A_195] : memref<100000x128xf32, #tpu.memory_space<hbm>> -> memref<256x128xf32, #tpu.memory_space<hbm>>
    tpu.wait_dma2 semaphore(%arg22 : memref<!tpu.dma_semaphore, #tpu.memory_space<semaphore_mem>>) src(%arg18 : memref<256x128xf32, #tpu.memory_space<vmem>>) dst(%dma_wait3A_196 : memref<256x128xf32, #tpu.memory_space<hbm>>)
    %sub3A = arith.constant 192 : i32
    %sub3A_197 = arith.subi %add3A_8, %sub3A : i32
    %while3A = arith.constant 0 : i32
    %while3A_198 = arith.constant 0 : i32
    %while3A_199 = arith.subi %sub3A_197, %while3A : i32
    %while3A_200 = arith.addi %while3A, %while3A_199 : i32
    %while3A_201 = arith.constant 1 : i32
    %while3A_202 = arith.divsi %while3A_199, %while3A_201 : i32
    %while3A_203 = arith.muli %while3A_202, %while3A_201 : i32
    %while3A_204 = arith.addi %while3A, %while3A_203 : i32
    %while3A_205 = arith.constant 1 : i32
    %while3A_206 = scf.for %while3A_330 = %while3A to %while3A_204 step %while3A_205 iter_args(%while3A_331 = %while3A_198) -> (i32)  : i32 {
      %add3A_332 = arith.constant 3072 : i32
      %add3A_333 = arith.addi %mul3A_10, %add3A_332 : i32
      %mul3A_334 = arith.constant 16 : i32
      %mul3A_335 = arith.muli %mul3A_334, %while3A_330 : i32
      %add3A_336 = arith.addi %add3A_333, %mul3A_335 : i32
      %dma_start3A_337 = arith.constant 0 : i32
      %dma_start3A_338 = arith.constant 0 : i32
      %dma_start3A_339 = tpu.memref_slice %arg17[%dma_start3A_337, %dma_start3A_338] : memref<256x128xf32, #tpu.memory_space<vmem>> -> memref<16x128xf32, #tpu.memory_space<vmem>>
      %dma_start3A_340 = arith.constant 0 : i32
      %dma_start3A_341 = tpu.memref_slice %arg2[%add3A_336, %dma_start3A_340] : memref<100000x128xf32, #tpu.memory_space<hbm>> -> memref<16x128xf32, #tpu.memory_space<hbm>>
      %dma_start3A_342 = arith.constant 0 : i32
      %dma_start3A_343 = arith.constant 0 : i32
      %dma_start3A_344 = tpu.memref_slice %arg17[%dma_start3A_342, %dma_start3A_343] : memref<256x128xf32, #tpu.memory_space<vmem>> -> memref<16x128xf32, #tpu.memory_space<vmem>>
      %dma_start3A_345 = arith.constant 0 : i32
      %dma_start3A_346 = tpu.memref_slice %arg2[%add3A_336, %dma_start3A_345] : memref<100000x128xf32, #tpu.memory_space<hbm>> -> memref<16x128xf32, #tpu.memory_space<hbm>>
      tpu.enqueue_dma source(%dma_start3A_346 : memref<16x128xf32, #tpu.memory_space<hbm>>) target(%dma_start3A_344 : memref<16x128xf32, #tpu.memory_space<vmem>>) target_semaphore(%arg19 : memref<!tpu.dma_semaphore, #tpu.memory_space<semaphore_mem>>)
      %dma_wait3A_347 = arith.constant 0 : i32
      %dma_wait3A_348 = arith.constant 0 : i32
      %dma_wait3A_349 = tpu.memref_slice %arg17[%dma_wait3A_347, %dma_wait3A_348] : memref<256x128xf32, #tpu.memory_space<vmem>> -> memref<16x128xf32, #tpu.memory_space<vmem>>
      %dma_wait3A_350 = arith.constant 0 : i32
      %dma_wait3A_351 = tpu.memref_slice %arg2[%add3A_336, %dma_wait3A_350] : memref<100000x128xf32, #tpu.memory_space<hbm>> -> memref<16x128xf32, #tpu.memory_space<hbm>>
      %dma_wait3A_352 = arith.constant 0 : i32
      %dma_wait3A_353 = arith.constant 0 : i32
      %dma_wait3A_354 = tpu.memref_slice %arg17[%dma_wait3A_352, %dma_wait3A_353] : memref<256x128xf32, #tpu.memory_space<vmem>> -> memref<16x128xf32, #tpu.memory_space<vmem>>
      %dma_wait3A_355 = arith.constant 0 : i32
      %dma_wait3A_356 = tpu.memref_slice %arg2[%add3A_336, %dma_wait3A_355] : memref<100000x128xf32, #tpu.memory_space<hbm>> -> memref<16x128xf32, #tpu.memory_space<hbm>>
      tpu.wait_dma2 semaphore(%arg19 : memref<!tpu.dma_semaphore, #tpu.memory_space<semaphore_mem>>) src(%dma_wait3A_356 : memref<16x128xf32, #tpu.memory_space<hbm>>) dst(%dma_wait3A_354 : memref<16x128xf32, #tpu.memory_space<vmem>>)
      %dma_start3A_357 = arith.constant 0 : i32
      %dma_start3A_358 = arith.constant 0 : i32
      %dma_start3A_359 = tpu.memref_slice %arg17[%dma_start3A_357, %dma_start3A_358] : memref<256x128xf32, #tpu.memory_space<vmem>> -> memref<16x128xf32, #tpu.memory_space<vmem>>
      %dma_start3A_360 = arith.constant 0 : i32
      %dma_start3A_361 = tpu.memref_slice %arg7[%add3A_336, %dma_start3A_360] : memref<100000x128xf32, #tpu.memory_space<hbm>> -> memref<16x128xf32, #tpu.memory_space<hbm>>
      %dma_start3A_362 = arith.constant 0 : i32
      %dma_start3A_363 = tpu.memref_slice %arg7[%add3A_336, %dma_start3A_362] : memref<100000x128xf32, #tpu.memory_space<hbm>> -> memref<16x128xf32, #tpu.memory_space<hbm>>
      %dma_start3A_364 = arith.constant 0 : i32
      %dma_start3A_365 = arith.constant 0 : i32
      %dma_start3A_366 = tpu.memref_slice %arg17[%dma_start3A_364, %dma_start3A_365] : memref<256x128xf32, #tpu.memory_space<vmem>> -> memref<16x128xf32, #tpu.memory_space<vmem>>
      tpu.enqueue_dma source(%dma_start3A_366 : memref<16x128xf32, #tpu.memory_space<vmem>>) target(%dma_start3A_363 : memref<16x128xf32, #tpu.memory_space<hbm>>) target_semaphore(%arg19 : memref<!tpu.dma_semaphore, #tpu.memory_space<semaphore_mem>>)
      %dma_wait3A_367 = arith.constant 0 : i32
      %dma_wait3A_368 = arith.constant 0 : i32
      %dma_wait3A_369 = tpu.memref_slice %arg17[%dma_wait3A_367, %dma_wait3A_368] : memref<256x128xf32, #tpu.memory_space<vmem>> -> memref<16x128xf32, #tpu.memory_space<vmem>>
      %dma_wait3A_370 = arith.constant 0 : i32
      %dma_wait3A_371 = tpu.memref_slice %arg7[%add3A_336, %dma_wait3A_370] : memref<100000x128xf32, #tpu.memory_space<hbm>> -> memref<16x128xf32, #tpu.memory_space<hbm>>
      %dma_wait3A_372 = arith.constant 0 : i32
      %dma_wait3A_373 = tpu.memref_slice %arg7[%add3A_336, %dma_wait3A_372] : memref<100000x128xf32, #tpu.memory_space<hbm>> -> memref<16x128xf32, #tpu.memory_space<hbm>>
      %dma_wait3A_374 = arith.constant 0 : i32
      %dma_wait3A_375 = arith.constant 0 : i32
      %dma_wait3A_376 = tpu.memref_slice %arg17[%dma_wait3A_374, %dma_wait3A_375] : memref<256x128xf32, #tpu.memory_space<vmem>> -> memref<16x128xf32, #tpu.memory_space<vmem>>
      tpu.wait_dma2 semaphore(%arg19 : memref<!tpu.dma_semaphore, #tpu.memory_space<semaphore_mem>>) src(%dma_wait3A_376 : memref<16x128xf32, #tpu.memory_space<vmem>>) dst(%dma_wait3A_373 : memref<16x128xf32, #tpu.memory_space<hbm>>)
      %while3A_377 = arith.constant 0 : i32
      scf.yield %while3A_377 : i32
    }
    %while3A_207 = arith.constant 1 : i32
    %while3A_208 = scf.for %while3A_330 = %while3A_204 to %while3A_200 step %while3A_207 iter_args(%while3A_331 = %while3A_206) -> (i32)  : i32 {
      %add3A_332 = arith.constant 3072 : i32
      %add3A_333 = arith.addi %mul3A_10, %add3A_332 : i32
      %mul3A_334 = arith.constant 16 : i32
      %mul3A_335 = arith.muli %mul3A_334, %while3A_330 : i32
      %add3A_336 = arith.addi %add3A_333, %mul3A_335 : i32
      %dma_start3A_337 = arith.constant 0 : i32
      %dma_start3A_338 = arith.constant 0 : i32
      %dma_start3A_339 = tpu.memref_slice %arg17[%dma_start3A_337, %dma_start3A_338] : memref<256x128xf32, #tpu.memory_space<vmem>> -> memref<16x128xf32, #tpu.memory_space<vmem>>
      %dma_start3A_340 = arith.constant 0 : i32
      %dma_start3A_341 = tpu.memref_slice %arg2[%add3A_336, %dma_start3A_340] : memref<100000x128xf32, #tpu.memory_space<hbm>> -> memref<16x128xf32, #tpu.memory_space<hbm>>
      %dma_start3A_342 = arith.constant 0 : i32
      %dma_start3A_343 = arith.constant 0 : i32
      %dma_start3A_344 = tpu.memref_slice %arg17[%dma_start3A_342, %dma_start3A_343] : memref<256x128xf32, #tpu.memory_space<vmem>> -> memref<16x128xf32, #tpu.memory_space<vmem>>
      %dma_start3A_345 = arith.constant 0 : i32
      %dma_start3A_346 = tpu.memref_slice %arg2[%add3A_336, %dma_start3A_345] : memref<100000x128xf32, #tpu.memory_space<hbm>> -> memref<16x128xf32, #tpu.memory_space<hbm>>
      tpu.enqueue_dma source(%dma_start3A_346 : memref<16x128xf32, #tpu.memory_space<hbm>>) target(%dma_start3A_344 : memref<16x128xf32, #tpu.memory_space<vmem>>) target_semaphore(%arg19 : memref<!tpu.dma_semaphore, #tpu.memory_space<semaphore_mem>>)
      %dma_wait3A_347 = arith.constant 0 : i32
      %dma_wait3A_348 = arith.constant 0 : i32
      %dma_wait3A_349 = tpu.memref_slice %arg17[%dma_wait3A_347, %dma_wait3A_348] : memref<256x128xf32, #tpu.memory_space<vmem>> -> memref<16x128xf32, #tpu.memory_space<vmem>>
      %dma_wait3A_350 = arith.constant 0 : i32
      %dma_wait3A_351 = tpu.memref_slice %arg2[%add3A_336, %dma_wait3A_350] : memref<100000x128xf32, #tpu.memory_space<hbm>> -> memref<16x128xf32, #tpu.memory_space<hbm>>
      %dma_wait3A_352 = arith.constant 0 : i32
      %dma_wait3A_353 = arith.constant 0 : i32
      %dma_wait3A_354 = tpu.memref_slice %arg17[%dma_wait3A_352, %dma_wait3A_353] : memref<256x128xf32, #tpu.memory_space<vmem>> -> memref<16x128xf32, #tpu.memory_space<vmem>>
      %dma_wait3A_355 = arith.constant 0 : i32
      %dma_wait3A_356 = tpu.memref_slice %arg2[%add3A_336, %dma_wait3A_355] : memref<100000x128xf32, #tpu.memory_space<hbm>> -> memref<16x128xf32, #tpu.memory_space<hbm>>
      tpu.wait_dma2 semaphore(%arg19 : memref<!tpu.dma_semaphore, #tpu.memory_space<semaphore_mem>>) src(%dma_wait3A_356 : memref<16x128xf32, #tpu.memory_space<hbm>>) dst(%dma_wait3A_354 : memref<16x128xf32, #tpu.memory_space<vmem>>)
      %dma_start3A_357 = arith.constant 0 : i32
      %dma_start3A_358 = arith.constant 0 : i32
      %dma_start3A_359 = tpu.memref_slice %arg17[%dma_start3A_357, %dma_start3A_358] : memref<256x128xf32, #tpu.memory_space<vmem>> -> memref<16x128xf32, #tpu.memory_space<vmem>>
      %dma_start3A_360 = arith.constant 0 : i32
      %dma_start3A_361 = tpu.memref_slice %arg7[%add3A_336, %dma_start3A_360] : memref<100000x128xf32, #tpu.memory_space<hbm>> -> memref<16x128xf32, #tpu.memory_space<hbm>>
      %dma_start3A_362 = arith.constant 0 : i32
      %dma_start3A_363 = tpu.memref_slice %arg7[%add3A_336, %dma_start3A_362] : memref<100000x128xf32, #tpu.memory_space<hbm>> -> memref<16x128xf32, #tpu.memory_space<hbm>>
      %dma_start3A_364 = arith.constant 0 : i32
      %dma_start3A_365 = arith.constant 0 : i32
      %dma_start3A_366 = tpu.memref_slice %arg17[%dma_start3A_364, %dma_start3A_365] : memref<256x128xf32, #tpu.memory_space<vmem>> -> memref<16x128xf32, #tpu.memory_space<vmem>>
      tpu.enqueue_dma source(%dma_start3A_366 : memref<16x128xf32, #tpu.memory_space<vmem>>) target(%dma_start3A_363 : memref<16x128xf32, #tpu.memory_space<hbm>>) target_semaphore(%arg19 : memref<!tpu.dma_semaphore, #tpu.memory_space<semaphore_mem>>)
      %dma_wait3A_367 = arith.constant 0 : i32
      %dma_wait3A_368 = arith.constant 0 : i32
      %dma_wait3A_369 = tpu.memref_slice %arg17[%dma_wait3A_367, %dma_wait3A_368] : memref<256x128xf32, #tpu.memory_space<vmem>> -> memref<16x128xf32, #tpu.memory_space<vmem>>
      %dma_wait3A_370 = arith.constant 0 : i32
      %dma_wait3A_371 = tpu.memref_slice %arg7[%add3A_336, %dma_wait3A_370] : memref<100000x128xf32, #tpu.memory_space<hbm>> -> memref<16x128xf32, #tpu.memory_space<hbm>>
      %dma_wait3A_372 = arith.constant 0 : i32
      %dma_wait3A_373 = tpu.memref_slice %arg7[%add3A_336, %dma_wait3A_372] : memref<100000x128xf32, #tpu.memory_space<hbm>> -> memref<16x128xf32, #tpu.memory_space<hbm>>
      %dma_wait3A_374 = arith.constant 0 : i32
      %dma_wait3A_375 = arith.constant 0 : i32
      %dma_wait3A_376 = tpu.memref_slice %arg17[%dma_wait3A_374, %dma_wait3A_375] : memref<256x128xf32, #tpu.memory_space<vmem>> -> memref<16x128xf32, #tpu.memory_space<vmem>>
      tpu.wait_dma2 semaphore(%arg19 : memref<!tpu.dma_semaphore, #tpu.memory_space<semaphore_mem>>) src(%dma_wait3A_376 : memref<16x128xf32, #tpu.memory_space<vmem>>) dst(%dma_wait3A_373 : memref<16x128xf32, #tpu.memory_space<hbm>>)
      %while3A_377 = arith.constant 0 : i32
      scf.yield %while3A_377 : i32
    }
    tpu.wait_dma2 semaphore(%arg23 : memref<!tpu.dma_semaphore, #tpu.memory_space<semaphore_mem>>) src(%arg5 : memref<16384xf32, #tpu.memory_space<hbm>>) dst(%arg11 : memref<16384xf32, #tpu.memory_space<vmem>>)
    %dma_wait3A_209 = arith.constant 0 : i32
    %dma_wait3A_210 = tpu.memref_slice %arg16[%dma_wait3A_209] : memref<3136xf32, #tpu.memory_space<vmem>> -> memref<3120xf32, #tpu.memory_space<vmem>>
    %dma_wait3A_211 = tpu.memref_slice %arg3[%mul3A_10] : memref<100000xf32, #tpu.memory_space<hbm>> -> memref<3120xf32, #tpu.memory_space<hbm>>
    %dma_wait3A_212 = arith.constant 0 : i32
    %dma_wait3A_213 = tpu.memref_slice %arg16[%dma_wait3A_212] : memref<3136xf32, #tpu.memory_space<vmem>> -> memref<3120xf32, #tpu.memory_space<vmem>>
    %dma_wait3A_214 = tpu.memref_slice %arg3[%mul3A_10] : memref<100000xf32, #tpu.memory_space<hbm>> -> memref<3120xf32, #tpu.memory_space<hbm>>
    tpu.wait_dma2 semaphore(%arg23 : memref<!tpu.dma_semaphore, #tpu.memory_space<semaphore_mem>>) src(%dma_wait3A_214 : memref<3120xf32, #tpu.memory_space<hbm>>) dst(%dma_wait3A_213 : memref<3120xf32, #tpu.memory_space<vmem>>)
    %dma_wait3A_215 = arith.constant 3120 : i32
    %dma_wait3A_216 = tpu.memref_slice %arg16[%dma_wait3A_215] : memref<3136xf32, #tpu.memory_space<vmem>> -> memref<16xf32, #tpu.memory_space<vmem>>
    %dma_wait3A_217 = tpu.memref_slice %arg3[%min3A_21] : memref<100000xf32, #tpu.memory_space<hbm>> -> memref<16xf32, #tpu.memory_space<hbm>>
    %dma_wait3A_218 = arith.constant 3120 : i32
    %dma_wait3A_219 = tpu.memref_slice %arg16[%dma_wait3A_218] : memref<3136xf32, #tpu.memory_space<vmem>> -> memref<16xf32, #tpu.memory_space<vmem>>
    %dma_wait3A_220 = tpu.memref_slice %arg3[%min3A_21] : memref<100000xf32, #tpu.memory_space<hbm>> -> memref<16xf32, #tpu.memory_space<hbm>>
    tpu.wait_dma2 semaphore(%arg23 : memref<!tpu.dma_semaphore, #tpu.memory_space<semaphore_mem>>) src(%dma_wait3A_220 : memref<16xf32, #tpu.memory_space<hbm>>) dst(%dma_wait3A_219 : memref<16xf32, #tpu.memory_space<vmem>>)
    %while3A_221 = arith.constant 0 : i32
    %while3A_222 = arith.constant 0 : i32
    %while3A_223 = arith.subi %add3A_8, %while3A_221 : i32
    %while3A_224 = arith.addi %while3A_221, %while3A_223 : i32
    %while3A_225 = arith.constant 1 : i32
    %while3A_226 = arith.divsi %while3A_223, %while3A_225 : i32
    %while3A_227 = arith.muli %while3A_226, %while3A_225 : i32
    %while3A_228 = arith.addi %while3A_221, %while3A_227 : i32
    %while3A_229 = arith.constant 1 : i32
    %while3A_230 = scf.for %while3A_330 = %while3A_221 to %while3A_228 step %while3A_229 iter_args(%while3A_331 = %while3A_222) -> (i32)  : i32 {
      %broadcast_in_dim3A = arith.constant -1 : i32
      %broadcast_in_dim3A_332 = vector.broadcast %broadcast_in_dim3A : i32 to vector<16xi32>
      %mul3A_333 = arith.constant 16 : i32
      %mul3A_334 = arith.muli %mul3A_333, %while3A_330 : i32
      %swap3A = arith.index_cast %mul3A_334 : i32 to index
      %swap3A_335 = tpu.vector_load %arg15[%swap3A] {strides = array<i32>} : memref<3136xi32, #tpu.memory_space<vmem>>, vector<16xi32>,
      tpu.vector_store %arg15[%swap3A], %broadcast_in_dim3A_332 {strides = array<i32>} : memref<3136xi32, #tpu.memory_space<vmem>>, vector<16xi32>,
      %while3A_336 = arith.constant 0 : i32
      scf.yield %while3A_336 : i32
    }
    %while3A_231 = arith.constant 1 : i32
    %while3A_232 = scf.for %while3A_330 = %while3A_228 to %while3A_224 step %while3A_231 iter_args(%while3A_331 = %while3A_230) -> (i32)  : i32 {
      %broadcast_in_dim3A = arith.constant -1 : i32
      %broadcast_in_dim3A_332 = vector.broadcast %broadcast_in_dim3A : i32 to vector<16xi32>
      %mul3A_333 = arith.constant 16 : i32
      %mul3A_334 = arith.muli %mul3A_333, %while3A_330 : i32
      %swap3A = arith.index_cast %mul3A_334 : i32 to index
      %swap3A_335 = tpu.vector_load %arg15[%swap3A] {strides = array<i32>} : memref<3136xi32, #tpu.memory_space<vmem>>, vector<16xi32>,
      tpu.vector_store %arg15[%swap3A], %broadcast_in_dim3A_332 {strides = array<i32>} : memref<3136xi32, #tpu.memory_space<vmem>>, vector<16xi32>,
      %while3A_336 = arith.constant 0 : i32
      scf.yield %while3A_336 : i32
    }
    %scan3A_233 = arith.constant 0 : i32
    %scan3A_234 = arith.constant 0 : i32
    %scan3A_235 = arith.constant 256 : i32
    %scan3A_236 = arith.addi %scan3A_234, %scan3A_235 : i32
    %scan3A_237 = arith.constant 1 : i32
    %scan3A_238 = scf.for %scan3A_330 = %scan3A_234 to %scan3A_236 step %scan3A_237 iter_args(%scan3A_331 = %scan3A_233) -> (i32)  : i32 {
      %mul3A_332 = arith.constant 4 : i32
      %mul3A_333 = arith.muli %mul3A_332, %scan3A_330 : i32
      %add3A_334 = arith.constant 0 : i32
      %add3A_335 = arith.addi %mul3A_333, %add3A_334 : i32
      %mul3A_336 = arith.constant 16 : i32
      %mul3A_337 = arith.muli %mul3A_336, %add3A_335 : i32
      %get3A = arith.index_cast %mul3A_337 : i32 to index
      %get3A_338 = tpu.vector_load %arg10[%get3A] {strides = array<i32>} : memref<16384xi32, #tpu.memory_space<vmem>>, vector<16xi32>,
      %sub3A_339 = vector.broadcast %mul3A_10 : i32 to vector<16xi32>
      %sub3A_340 = arith.subi %get3A_338, %sub3A_339 : vector<16xi32>
      %bitcast3A = vector.bitcast %sub3A_340 : vector<16xi32> to vector<16xi32>
      %lt3A_341 = vector.broadcast %mul3A_12 : i32 to vector<16xi32>
      %lt3A_342 = arith.cmpi ult, %bitcast3A, %lt3A_341 : vector<16xi32>
      %jit3A_343 = arith.constant -1 : i32
      %broadcast_in_dim3A = vector.broadcast %jit3A_343 : i32 to vector<16xi32>
      %select_n3A_344 = arith.select %lt3A_342, %get3A_338, %broadcast_in_dim3A : vector<16xi1>, vector<16xi32>
      %broadcast_in_dim3A_345 = arith.constant true
      %broadcast_in_dim3A_346 = vector.broadcast %broadcast_in_dim3A_345 : i1 to vector<16xi1>
      %unique3A, %unique3A_347 = tpu.scan_count mask(%broadcast_in_dim3A_346 : vector<16xi1>) value(%select_n3A_344 : vector<16xi32>) : vector<16xi1>, vector<16xi32>
      %sub3A_348 = arith.constant 1 : i32
      %sub3A_349 = arith.subi %mul3A_12, %sub3A_348 : i32
      %jit3A_350 = arith.constant 0 : i32
      %max3A = vector.broadcast %jit3A_350 : i32 to vector<16xi32>
      %max3A_351 = arith.maxsi %max3A, %sub3A_340 : vector<16xi32>
      %min3A_352 = vector.broadcast %sub3A_349 : i32 to vector<16xi32>
      %min3A_353 = arith.minsi %min3A_352, %max3A_351 : vector<16xi32>
      %mul3A_354 = arith.constant 16 : i32
      %mul3A_355 = arith.muli %mul3A_354, %add3A_335 : i32
      %add3A_356 = vector.broadcast %mul3A_355 : i32 to vector<16xi32>
      %add3A_357 = arith.addi %iota3A, %add3A_356 : vector<16xi32>
      %and3A_358 = arith.andi %lt3A_342, %unique3A : vector<16xi1>
      tpu.vector_store_idx %arg15[%min3A_353], %add3A_357 masked %and3A_358 : memref<3136xi32, #tpu.memory_space<vmem>>[vector<16xi32>], vector<16xi32>, vector<16xi1>
      %mul3A_359 = arith.constant 4 : i32
      %mul3A_360 = arith.muli %mul3A_359, %scan3A_330 : i32
      %add3A_361 = arith.constant 1 : i32
      %add3A_362 = arith.addi %mul3A_360, %add3A_361 : i32
      %mul3A_363 = arith.constant 16 : i32
      %mul3A_364 = arith.muli %mul3A_363, %add3A_362 : i32
      %get3A_365 = arith.index_cast %mul3A_364 : i32 to index
      %get3A_366 = tpu.vector_load %arg10[%get3A_365] {strides = array<i32>} : memref<16384xi32, #tpu.memory_space<vmem>>, vector<16xi32>,
      %sub3A_367 = vector.broadcast %mul3A_10 : i32 to vector<16xi32>
      %sub3A_368 = arith.subi %get3A_366, %sub3A_367 : vector<16xi32>
      %bitcast3A_369 = vector.bitcast %sub3A_368 : vector<16xi32> to vector<16xi32>
      %lt3A_370 = vector.broadcast %mul3A_12 : i32 to vector<16xi32>
      %lt3A_371 = arith.cmpi ult, %bitcast3A_369, %lt3A_370 : vector<16xi32>
      %jit3A_372 = arith.constant -1 : i32
      %broadcast_in_dim3A_373 = vector.broadcast %jit3A_372 : i32 to vector<16xi32>
      %select_n3A_374 = arith.select %lt3A_371, %get3A_366, %broadcast_in_dim3A_373 : vector<16xi1>, vector<16xi32>
      %broadcast_in_dim3A_375 = arith.constant true
      %broadcast_in_dim3A_376 = vector.broadcast %broadcast_in_dim3A_375 : i1 to vector<16xi1>
      %unique3A_377, %unique3A_378 = tpu.scan_count mask(%broadcast_in_dim3A_376 : vector<16xi1>) value(%select_n3A_374 : vector<16xi32>) : vector<16xi1>, vector<16xi32>
      %sub3A_379 = arith.constant 1 : i32
      %sub3A_380 = arith.subi %mul3A_12, %sub3A_379 : i32
      %jit3A_381 = arith.constant 0 : i32
      %max3A_382 = vector.broadcast %jit3A_381 : i32 to vector<16xi32>
      %max3A_383 = arith.maxsi %max3A_382, %sub3A_368 : vector<16xi32>
      %min3A_384 = vector.broadcast %sub3A_380 : i32 to vector<16xi32>
      %min3A_385 = arith.minsi %min3A_384, %max3A_383 : vector<16xi32>
      %mul3A_386 = arith.constant 16 : i32
      %mul3A_387 = arith.muli %mul3A_386, %add3A_362 : i32
      %add3A_388 = vector.broadcast %mul3A_387 : i32 to vector<16xi32>
      %add3A_389 = arith.addi %iota3A, %add3A_388 : vector<16xi32>
      %and3A_390 = arith.andi %lt3A_371, %unique3A_377 : vector<16xi1>
      tpu.vector_store_idx %arg15[%min3A_385], %add3A_389 masked %and3A_390 : memref<3136xi32, #tpu.memory_space<vmem>>[vector<16xi32>], vector<16xi32>, vector<16xi1>
      %mul3A_391 = arith.constant 4 : i32
      %mul3A_392 = arith.muli %mul3A_391, %scan3A_330 : i32
      %add3A_393 = arith.constant 2 : i32
      %add3A_394 = arith.addi %mul3A_392, %add3A_393 : i32
      %mul3A_395 = arith.constant 16 : i32
      %mul3A_396 = arith.muli %mul3A_395, %add3A_394 : i32
      %get3A_397 = arith.index_cast %mul3A_396 : i32 to index
      %get3A_398 = tpu.vector_load %arg10[%get3A_397] {strides = array<i32>} : memref<16384xi32, #tpu.memory_space<vmem>>, vector<16xi32>,
      %sub3A_399 = vector.broadcast %mul3A_10 : i32 to vector<16xi32>
      %sub3A_400 = arith.subi %get3A_398, %sub3A_399 : vector<16xi32>
      %bitcast3A_401 = vector.bitcast %sub3A_400 : vector<16xi32> to vector<16xi32>
      %lt3A_402 = vector.broadcast %mul3A_12 : i32 to vector<16xi32>
      %lt3A_403 = arith.cmpi ult, %bitcast3A_401, %lt3A_402 : vector<16xi32>
      %jit3A_404 = arith.constant -1 : i32
      %broadcast_in_dim3A_405 = vector.broadcast %jit3A_404 : i32 to vector<16xi32>
      %select_n3A_406 = arith.select %lt3A_403, %get3A_398, %broadcast_in_dim3A_405 : vector<16xi1>, vector<16xi32>
      %broadcast_in_dim3A_407 = arith.constant true
      %broadcast_in_dim3A_408 = vector.broadcast %broadcast_in_dim3A_407 : i1 to vector<16xi1>
      %unique3A_409, %unique3A_410 = tpu.scan_count mask(%broadcast_in_dim3A_408 : vector<16xi1>) value(%select_n3A_406 : vector<16xi32>) : vector<16xi1>, vector<16xi32>
      %sub3A_411 = arith.constant 1 : i32
      %sub3A_412 = arith.subi %mul3A_12, %sub3A_411 : i32
      %jit3A_413 = arith.constant 0 : i32
      %max3A_414 = vector.broadcast %jit3A_413 : i32 to vector<16xi32>
      %max3A_415 = arith.maxsi %max3A_414, %sub3A_400 : vector<16xi32>
      %min3A_416 = vector.broadcast %sub3A_412 : i32 to vector<16xi32>
      %min3A_417 = arith.minsi %min3A_416, %max3A_415 : vector<16xi32>
      %mul3A_418 = arith.constant 16 : i32
      %mul3A_419 = arith.muli %mul3A_418, %add3A_394 : i32
      %add3A_420 = vector.broadcast %mul3A_419 : i32 to vector<16xi32>
      %add3A_421 = arith.addi %iota3A, %add3A_420 : vector<16xi32>
      %and3A_422 = arith.andi %lt3A_403, %unique3A_409 : vector<16xi1>
      tpu.vector_store_idx %arg15[%min3A_417], %add3A_421 masked %and3A_422 : memref<3136xi32, #tpu.memory_space<vmem>>[vector<16xi32>], vector<16xi32>, vector<16xi1>
      %mul3A_423 = arith.constant 4 : i32
      %mul3A_424 = arith.muli %mul3A_423, %scan3A_330 : i32
      %add3A_425 = arith.constant 3 : i32
      %add3A_426 = arith.addi %mul3A_424, %add3A_425 : i32
      %mul3A_427 = arith.constant 16 : i32
      %mul3A_428 = arith.muli %mul3A_427, %add3A_426 : i32
      %get3A_429 = arith.index_cast %mul3A_428 : i32 to index
      %get3A_430 = tpu.vector_load %arg10[%get3A_429] {strides = array<i32>} : memref<16384xi32, #tpu.memory_space<vmem>>, vector<16xi32>,
      %sub3A_431 = vector.broadcast %mul3A_10 : i32 to vector<16xi32>
      %sub3A_432 = arith.subi %get3A_430, %sub3A_431 : vector<16xi32>
      %bitcast3A_433 = vector.bitcast %sub3A_432 : vector<16xi32> to vector<16xi32>
      %lt3A_434 = vector.broadcast %mul3A_12 : i32 to vector<16xi32>
      %lt3A_435 = arith.cmpi ult, %bitcast3A_433, %lt3A_434 : vector<16xi32>
      %jit3A_436 = arith.constant -1 : i32
      %broadcast_in_dim3A_437 = vector.broadcast %jit3A_436 : i32 to vector<16xi32>
      %select_n3A_438 = arith.select %lt3A_435, %get3A_430, %broadcast_in_dim3A_437 : vector<16xi1>, vector<16xi32>
      %broadcast_in_dim3A_439 = arith.constant true
      %broadcast_in_dim3A_440 = vector.broadcast %broadcast_in_dim3A_439 : i1 to vector<16xi1>
      %unique3A_441, %unique3A_442 = tpu.scan_count mask(%broadcast_in_dim3A_440 : vector<16xi1>) value(%select_n3A_438 : vector<16xi32>) : vector<16xi1>, vector<16xi32>
      %sub3A_443 = arith.constant 1 : i32
      %sub3A_444 = arith.subi %mul3A_12, %sub3A_443 : i32
      %jit3A_445 = arith.constant 0 : i32
      %max3A_446 = vector.broadcast %jit3A_445 : i32 to vector<16xi32>
      %max3A_447 = arith.maxsi %max3A_446, %sub3A_432 : vector<16xi32>
      %min3A_448 = vector.broadcast %sub3A_444 : i32 to vector<16xi32>
      %min3A_449 = arith.minsi %min3A_448, %max3A_447 : vector<16xi32>
      %mul3A_450 = arith.constant 16 : i32
      %mul3A_451 = arith.muli %mul3A_450, %add3A_426 : i32
      %add3A_452 = vector.broadcast %mul3A_451 : i32 to vector<16xi32>
      %add3A_453 = arith.addi %iota3A, %add3A_452 : vector<16xi32>
      %and3A_454 = arith.andi %lt3A_435, %unique3A_441 : vector<16xi1>
      tpu.vector_store_idx %arg15[%min3A_449], %add3A_453 masked %and3A_454 : memref<3136xi32, #tpu.memory_space<vmem>>[vector<16xi32>], vector<16xi32>, vector<16xi1>
      %scan3A_455 = arith.constant 0 : i32
      scf.yield %scan3A_455 : i32
    }
    %scan3A_239 = arith.constant 256 : i32
    %while3A_240 = arith.constant 0 : i32
    %while3A_241 = arith.constant 0 : i32
    %while3A_242 = arith.subi %add3A_8, %while3A_240 : i32
    %while3A_243 = arith.addi %while3A_240, %while3A_242 : i32
    %while3A_244 = arith.constant 1 : i32
    %while3A_245 = arith.divsi %while3A_242, %while3A_244 : i32
    %while3A_246 = arith.muli %while3A_245, %while3A_244 : i32
    %while3A_247 = arith.addi %while3A_240, %while3A_246 : i32
    %while3A_248 = arith.constant 1 : i32
    %while3A_249 = scf.for %while3A_330 = %while3A_240 to %while3A_247 step %while3A_248 iter_args(%while3A_331 = %while3A_241) -> (i32)  : i32 {
      %mul3A_332 = arith.constant 16 : i32
      %mul3A_333 = arith.muli %mul3A_332, %while3A_330 : i32
      %get3A = arith.index_cast %mul3A_333 : i32 to index
      %get3A_334 = tpu.vector_load %arg15[%get3A] {strides = array<i32>} : memref<3136xi32, #tpu.memory_space<vmem>>, vector<16xi32>,
      %ge3A = arith.constant 0 : i32
      %ge3A_335 = vector.broadcast %ge3A : i32 to vector<16xi32>
      %ge3A_336 = arith.cmpi sge, %get3A_334, %ge3A_335 : vector<16xi32>
      %convert_element_type3A_337 = arith.extui %ge3A_336 : vector<16xi1> to vector<16xi32>
      %broadcast_in_dim3A = arith.constant true
      %broadcast_in_dim3A_338 = vector.broadcast %broadcast_in_dim3A : i1 to vector<16xi1>
      %masked_cumsum3A = tpu.scan <sum>, %convert_element_type3A_337 masked %broadcast_in_dim3A_338 : vector<16xi32>, vector<16xi1> -> vector<16xi32>
      %add3A_339 = vector.broadcast %while3A_331 : i32 to vector<16xi32>
      %add3A_340 = arith.addi %add3A_339, %masked_cumsum3A : vector<16xi32>
      %sub3A_341 = arith.constant 1 : i32
      %sub3A_342 = vector.broadcast %sub3A_341 : i32 to vector<16xi32>
      %sub3A_343 = arith.subi %add3A_340, %sub3A_342 : vector<16xi32>
      %max3A = arith.constant 0 : i32
      %max3A_344 = vector.broadcast %max3A : i32 to vector<16xi32>
      %max3A_345 = arith.maxsi %sub3A_343, %max3A_344 : vector<16xi32>
      tpu.vector_store_idx %arg13[%max3A_345], %get3A_334 masked %ge3A_336 : memref<3264xi32, #tpu.memory_space<vmem>>[vector<16xi32>], vector<16xi32>, vector<16xi1>
      %mul3A_346 = arith.constant 16 : i32
      %mul3A_347 = arith.muli %mul3A_346, %while3A_330 : i32
      %add3A_348 = arith.addi %mul3A_10, %mul3A_347 : i32
      %add3A_349 = vector.broadcast %add3A_348 : i32 to vector<16xi32>
      %add3A_350 = arith.addi %add3A_349, %iota3A : vector<16xi32>
      tpu.vector_store_idx %arg12[%max3A_345], %add3A_350 masked %ge3A_336 : memref<3264xi32, #tpu.memory_space<vmem>>[vector<16xi32>], vector<16xi32>, vector<16xi1>
      %slice3A = vector.extract_strided_slice %masked_cumsum3A {offsets = [15], sizes = [1], strides = [1]} : vector<16xi32> to vector<1xi32>
      %squeeze3A = vector.extract %slice3A[0] : i32 from vector<1xi32>
      %add3A_351 = arith.addi %while3A_331, %squeeze3A : i32
      scf.yield %add3A_351 : i32
    }
    %while3A_250 = arith.constant 1 : i32
    %while3A_251 = scf.for %while3A_330 = %while3A_247 to %while3A_243 step %while3A_250 iter_args(%while3A_331 = %while3A_249) -> (i32)  : i32 {
      %mul3A_332 = arith.constant 16 : i32
      %mul3A_333 = arith.muli %mul3A_332, %while3A_330 : i32
      %get3A = arith.index_cast %mul3A_333 : i32 to index
      %get3A_334 = tpu.vector_load %arg15[%get3A] {strides = array<i32>} : memref<3136xi32, #tpu.memory_space<vmem>>, vector<16xi32>,
      %ge3A = arith.constant 0 : i32
      %ge3A_335 = vector.broadcast %ge3A : i32 to vector<16xi32>
      %ge3A_336 = arith.cmpi sge, %get3A_334, %ge3A_335 : vector<16xi32>
      %convert_element_type3A_337 = arith.extui %ge3A_336 : vector<16xi1> to vector<16xi32>
      %broadcast_in_dim3A = arith.constant true
      %broadcast_in_dim3A_338 = vector.broadcast %broadcast_in_dim3A : i1 to vector<16xi1>
      %masked_cumsum3A = tpu.scan <sum>, %convert_element_type3A_337 masked %broadcast_in_dim3A_338 : vector<16xi32>, vector<16xi1> -> vector<16xi32>
      %add3A_339 = vector.broadcast %while3A_331 : i32 to vector<16xi32>
      %add3A_340 = arith.addi %add3A_339, %masked_cumsum3A : vector<16xi32>
      %sub3A_341 = arith.constant 1 : i32
      %sub3A_342 = vector.broadcast %sub3A_341 : i32 to vector<16xi32>
      %sub3A_343 = arith.subi %add3A_340, %sub3A_342 : vector<16xi32>
      %max3A = arith.constant 0 : i32
      %max3A_344 = vector.broadcast %max3A : i32 to vector<16xi32>
      %max3A_345 = arith.maxsi %sub3A_343, %max3A_344 : vector<16xi32>
      tpu.vector_store_idx %arg13[%max3A_345], %get3A_334 masked %ge3A_336 : memref<3264xi32, #tpu.memory_space<vmem>>[vector<16xi32>], vector<16xi32>, vector<16xi1>
      %mul3A_346 = arith.constant 16 : i32
      %mul3A_347 = arith.muli %mul3A_346, %while3A_330 : i32
      %add3A_348 = arith.addi %mul3A_10, %mul3A_347 : i32
      %add3A_349 = vector.broadcast %add3A_348 : i32 to vector<16xi32>
      %add3A_350 = arith.addi %add3A_349, %iota3A : vector<16xi32>
      tpu.vector_store_idx %arg12[%max3A_345], %add3A_350 masked %ge3A_336 : memref<3264xi32, #tpu.memory_space<vmem>>[vector<16xi32>], vector<16xi32>, vector<16xi1>
      %slice3A = vector.extract_strided_slice %masked_cumsum3A {offsets = [15], sizes = [1], strides = [1]} : vector<16xi32> to vector<1xi32>
      %squeeze3A = vector.extract %slice3A[0] : i32 from vector<1xi32>
      %add3A_351 = arith.addi %while3A_331, %squeeze3A : i32
      scf.yield %add3A_351 : i32
    }
    %add3A_252 = arith.constant 128 : i32
    %add3A_253 = arith.addi %while3A_251, %add3A_252 : i32
    %sub3A_254 = arith.constant 1 : i32
    %sub3A_255 = arith.subi %add3A_253, %sub3A_254 : i32
    %jit3A_256 = arith.constant 128 : i32
    %div3A = arith.divsi %sub3A_255, %jit3A_256 : i32
    %sign3A = arith.constant 0 : i32
    %sign3A_257 = arith.cmpi sgt, %sub3A_255, %sign3A : i32
    %sign3A_258 = arith.extui %sign3A_257 : i1 to i32
    %sign3A_259 = arith.constant 0 : i32
    %sign3A_260 = arith.cmpi slt, %sub3A_255, %sign3A_259 : i32
    %sign3A_261 = arith.extui %sign3A_260 : i1 to i32
    %sign3A_262 = arith.subi %sign3A_258, %sign3A_261 : i32
    %sign3A_263 = arith.constant 0 : i32
    %sign3A_264 = arith.cmpi sgt, %jit3A_256, %sign3A_263 : i32
    %sign3A_265 = arith.extui %sign3A_264 : i1 to i32
    %sign3A_266 = arith.constant 0 : i32
    %sign3A_267 = arith.cmpi slt, %jit3A_256, %sign3A_266 : i32
    %sign3A_268 = arith.extui %sign3A_267 : i1 to i32
    %sign3A_269 = arith.subi %sign3A_265, %sign3A_268 : i32
    %ne3A = arith.cmpi ne, %sign3A_262, %sign3A_269 : i32
    %rem3A = arith.remsi %sub3A_255, %jit3A_256 : i32
    %ne3A_270 = arith.constant 0 : i32
    %ne3A_271 = arith.cmpi ne, %rem3A, %ne3A_270 : i32
    %and3A = arith.andi %ne3A, %ne3A_271 : i1
    %sub3A_272 = arith.constant 1 : i32
    %sub3A_273 = arith.subi %div3A, %sub3A_272 : i32
    %select_n3A_274 = arith.select %and3A, %sub3A_273, %div3A : i32
    %gt3A = arith.constant 0 : i32
    %gt3A_275 = arith.cmpi sgt, %while3A_251, %gt3A : i32
    %convert_element_type3A = arith.extui %gt3A_275 : i1 to i32
    %cond3A = arith.constant 0 : i32
    %cond3A_276 = arith.cmpi ne, %convert_element_type3A, %cond3A : i32
    scf.if %cond3A_276 {
      %sub3A_330 = arith.constant 1 : i32
      %sub3A_331 = arith.subi %while3A_251, %sub3A_330 : i32
      %broadcast_in_dim3A = vector.broadcast %sub3A_331 : i32 to vector<16xi32>
      %gather3A = tpu.vector_load_idx %arg12[%broadcast_in_dim3A] : memref<3264xi32, #tpu.memory_space<vmem>>[vector<16xi32>], vector<16xi32>,
      %sub3A_332 = arith.constant 1 : i32
      %sub3A_333 = arith.subi %while3A_251, %sub3A_332 : i32
      %broadcast_in_dim3A_334 = vector.broadcast %sub3A_333 : i32 to vector<16xi32>
      %gather3A_335 = tpu.vector_load_idx %arg13[%broadcast_in_dim3A_334] : memref<3264xi32, #tpu.memory_space<vmem>>[vector<16xi32>], vector<16xi32>,
      %add3A_336 = arith.constant 0 : i32
      %add3A_337 = arith.addi %while3A_251, %add3A_336 : i32
      %add3A_338 = vector.broadcast %add3A_337 : i32 to vector<16xi32>
      %add3A_339 = arith.addi %add3A_338, %iota3A : vector<16xi32>
      tpu.vector_store_idx %arg12[%add3A_339], %gather3A : memref<3264xi32, #tpu.memory_space<vmem>>[vector<16xi32>], vector<16xi32>,
      %add3A_340 = arith.constant 0 : i32
      %add3A_341 = arith.addi %while3A_251, %add3A_340 : i32
      %add3A_342 = vector.broadcast %add3A_341 : i32 to vector<16xi32>
      %add3A_343 = arith.addi %add3A_342, %iota3A : vector<16xi32>
      tpu.vector_store_idx %arg13[%add3A_343], %gather3A_335 : memref<3264xi32, #tpu.memory_space<vmem>>[vector<16xi32>], vector<16xi32>,
      %add3A_344 = arith.constant 16 : i32
      %add3A_345 = arith.addi %while3A_251, %add3A_344 : i32
      %add3A_346 = vector.broadcast %add3A_345 : i32 to vector<16xi32>
      %add3A_347 = arith.addi %add3A_346, %iota3A : vector<16xi32>
      tpu.vector_store_idx %arg12[%add3A_347], %gather3A : memref<3264xi32, #tpu.memory_space<vmem>>[vector<16xi32>], vector<16xi32>,
      %add3A_348 = arith.constant 16 : i32
      %add3A_349 = arith.addi %while3A_251, %add3A_348 : i32
      %add3A_350 = vector.broadcast %add3A_349 : i32 to vector<16xi32>
      %add3A_351 = arith.addi %add3A_350, %iota3A : vector<16xi32>
      tpu.vector_store_idx %arg13[%add3A_351], %gather3A_335 : memref<3264xi32, #tpu.memory_space<vmem>>[vector<16xi32>], vector<16xi32>,
      %add3A_352 = arith.constant 32 : i32
      %add3A_353 = arith.addi %while3A_251, %add3A_352 : i32
      %add3A_354 = vector.broadcast %add3A_353 : i32 to vector<16xi32>
      %add3A_355 = arith.addi %add3A_354, %iota3A : vector<16xi32>
      tpu.vector_store_idx %arg12[%add3A_355], %gather3A : memref<3264xi32, #tpu.memory_space<vmem>>[vector<16xi32>], vector<16xi32>,
      %add3A_356 = arith.constant 32 : i32
      %add3A_357 = arith.addi %while3A_251, %add3A_356 : i32
      %add3A_358 = vector.broadcast %add3A_357 : i32 to vector<16xi32>
      %add3A_359 = arith.addi %add3A_358, %iota3A : vector<16xi32>
      tpu.vector_store_idx %arg13[%add3A_359], %gather3A_335 : memref<3264xi32, #tpu.memory_space<vmem>>[vector<16xi32>], vector<16xi32>,
      %add3A_360 = arith.constant 48 : i32
      %add3A_361 = arith.addi %while3A_251, %add3A_360 : i32
      %add3A_362 = vector.broadcast %add3A_361 : i32 to vector<16xi32>
      %add3A_363 = arith.addi %add3A_362, %iota3A : vector<16xi32>
      tpu.vector_store_idx %arg12[%add3A_363], %gather3A : memref<3264xi32, #tpu.memory_space<vmem>>[vector<16xi32>], vector<16xi32>,
      %add3A_364 = arith.constant 48 : i32
      %add3A_365 = arith.addi %while3A_251, %add3A_364 : i32
      %add3A_366 = vector.broadcast %add3A_365 : i32 to vector<16xi32>
      %add3A_367 = arith.addi %add3A_366, %iota3A : vector<16xi32>
      tpu.vector_store_idx %arg13[%add3A_367], %gather3A_335 : memref<3264xi32, #tpu.memory_space<vmem>>[vector<16xi32>], vector<16xi32>,
      %add3A_368 = arith.constant 64 : i32
      %add3A_369 = arith.addi %while3A_251, %add3A_368 : i32
      %add3A_370 = vector.broadcast %add3A_369 : i32 to vector<16xi32>
      %add3A_371 = arith.addi %add3A_370, %iota3A : vector<16xi32>
      tpu.vector_store_idx %arg12[%add3A_371], %gather3A : memref<3264xi32, #tpu.memory_space<vmem>>[vector<16xi32>], vector<16xi32>,
      %add3A_372 = arith.constant 64 : i32
      %add3A_373 = arith.addi %while3A_251, %add3A_372 : i32
      %add3A_374 = vector.broadcast %add3A_373 : i32 to vector<16xi32>
      %add3A_375 = arith.addi %add3A_374, %iota3A : vector<16xi32>
      tpu.vector_store_idx %arg13[%add3A_375], %gather3A_335 : memref<3264xi32, #tpu.memory_space<vmem>>[vector<16xi32>], vector<16xi32>,
      %add3A_376 = arith.constant 80 : i32
      %add3A_377 = arith.addi %while3A_251, %add3A_376 : i32
      %add3A_378 = vector.broadcast %add3A_377 : i32 to vector<16xi32>
      %add3A_379 = arith.addi %add3A_378, %iota3A : vector<16xi32>
      tpu.vector_store_idx %arg12[%add3A_379], %gather3A : memref<3264xi32, #tpu.memory_space<vmem>>[vector<16xi32>], vector<16xi32>,
      %add3A_380 = arith.constant 80 : i32
      %add3A_381 = arith.addi %while3A_251, %add3A_380 : i32
      %add3A_382 = vector.broadcast %add3A_381 : i32 to vector<16xi32>
      %add3A_383 = arith.addi %add3A_382, %iota3A : vector<16xi32>
      tpu.vector_store_idx %arg13[%add3A_383], %gather3A_335 : memref<3264xi32, #tpu.memory_space<vmem>>[vector<16xi32>], vector<16xi32>,
      %add3A_384 = arith.constant 96 : i32
      %add3A_385 = arith.addi %while3A_251, %add3A_384 : i32
      %add3A_386 = vector.broadcast %add3A_385 : i32 to vector<16xi32>
      %add3A_387 = arith.addi %add3A_386, %iota3A : vector<16xi32>
      tpu.vector_store_idx %arg12[%add3A_387], %gather3A : memref<3264xi32, #tpu.memory_space<vmem>>[vector<16xi32>], vector<16xi32>,
      %add3A_388 = arith.constant 96 : i32
      %add3A_389 = arith.addi %while3A_251, %add3A_388 : i32
      %add3A_390 = vector.broadcast %add3A_389 : i32 to vector<16xi32>
      %add3A_391 = arith.addi %add3A_390, %iota3A : vector<16xi32>
      tpu.vector_store_idx %arg13[%add3A_391], %gather3A_335 : memref<3264xi32, #tpu.memory_space<vmem>>[vector<16xi32>], vector<16xi32>,
      %add3A_392 = arith.constant 112 : i32
      %add3A_393 = arith.addi %while3A_251, %add3A_392 : i32
      %add3A_394 = vector.broadcast %add3A_393 : i32 to vector<16xi32>
      %add3A_395 = arith.addi %add3A_394, %iota3A : vector<16xi32>
      tpu.vector_store_idx %arg12[%add3A_395], %gather3A : memref<3264xi32, #tpu.memory_space<vmem>>[vector<16xi32>], vector<16xi32>,
      %add3A_396 = arith.constant 112 : i32
      %add3A_397 = arith.addi %while3A_251, %add3A_396 : i32
      %add3A_398 = vector.broadcast %add3A_397 : i32 to vector<16xi32>
      %add3A_399 = arith.addi %add3A_398, %iota3A : vector<16xi32>
      tpu.vector_store_idx %arg13[%add3A_399], %gather3A_335 : memref<3264xi32, #tpu.memory_space<vmem>>[vector<16xi32>], vector<16xi32>,
    } else {
    }
    %mul3A_277 = arith.constant 8 : i32
    %mul3A_278 = arith.muli %select_n3A_274, %mul3A_277 : i32
    %while3A_279 = arith.constant 0 : i32
    %while3A_280 = arith.constant 0 : i32
    %while3A_281 = arith.subi %mul3A_278, %while3A_279 : i32
    %while3A_282 = arith.addi %while3A_279, %while3A_281 : i32
    %while3A_283 = arith.constant 1 : i32
    %while3A_284 = arith.divsi %while3A_281, %while3A_283 : i32
    %while3A_285 = arith.muli %while3A_284, %while3A_283 : i32
    %while3A_286 = arith.addi %while3A_279, %while3A_285 : i32
    %while3A_287 = arith.constant 1 : i32
    %while3A_288 = scf.for %while3A_330 = %while3A_279 to %while3A_286 step %while3A_287 iter_args(%while3A_331 = %while3A_280) -> (i32)  : i32 {
      %mul3A_332 = arith.constant 16 : i32
      %mul3A_333 = arith.muli %mul3A_332, %while3A_330 : i32
      %get3A = arith.index_cast %mul3A_333 : i32 to index
      %get3A_334 = tpu.vector_load %arg12[%get3A] {strides = array<i32>} : memref<3264xi32, #tpu.memory_space<vmem>>, vector<16xi32>,
      %mul3A_335 = arith.constant 16 : i32
      %mul3A_336 = arith.muli %mul3A_335, %while3A_330 : i32
      %get3A_337 = arith.index_cast %mul3A_336 : i32 to index
      %get3A_338 = tpu.vector_load %arg13[%get3A_337] {strides = array<i32>} : memref<3264xi32, #tpu.memory_space<vmem>>, vector<16xi32>,
      %jit3A_339 = arith.constant 8 : i32
      %div3A_340 = arith.divsi %while3A_330, %jit3A_339 : i32
      %sign3A_341 = arith.constant 0 : i32
      %sign3A_342 = arith.cmpi sgt, %while3A_330, %sign3A_341 : i32
      %sign3A_343 = arith.extui %sign3A_342 : i1 to i32
      %sign3A_344 = arith.constant 0 : i32
      %sign3A_345 = arith.cmpi slt, %while3A_330, %sign3A_344 : i32
      %sign3A_346 = arith.extui %sign3A_345 : i1 to i32
      %sign3A_347 = arith.subi %sign3A_343, %sign3A_346 : i32
      %sign3A_348 = arith.constant 0 : i32
      %sign3A_349 = arith.cmpi sgt, %jit3A_339, %sign3A_348 : i32
      %sign3A_350 = arith.extui %sign3A_349 : i1 to i32
      %sign3A_351 = arith.constant 0 : i32
      %sign3A_352 = arith.cmpi slt, %jit3A_339, %sign3A_351 : i32
      %sign3A_353 = arith.extui %sign3A_352 : i1 to i32
      %sign3A_354 = arith.subi %sign3A_350, %sign3A_353 : i32
      %ne3A_355 = arith.cmpi ne, %sign3A_347, %sign3A_354 : i32
      %rem3A_356 = arith.remsi %while3A_330, %jit3A_339 : i32
      %ne3A_357 = arith.constant 0 : i32
      %ne3A_358 = arith.cmpi ne, %rem3A_356, %ne3A_357 : i32
      %and3A_359 = arith.andi %ne3A_355, %ne3A_358 : i1
      %sub3A_360 = arith.constant 1 : i32
      %sub3A_361 = arith.subi %div3A_340, %sub3A_360 : i32
      %select_n3A_362 = arith.select %and3A_359, %sub3A_361, %div3A_340 : i32
      %broadcast_in_dim3A = vector.broadcast %select_n3A_362 : i32 to vector<16xi32>
      %jit3A_363 = arith.constant 8 : i32
      %eq3A = arith.constant 0 : i32
      %eq3A_364 = arith.cmpi eq, %jit3A_363, %eq3A : i32
      %jit3A_365 = arith.constant 1 : i32
      %select_n3A_366 = arith.select %eq3A_364, %jit3A_365, %jit3A_363 : i32
      %rem3A_367 = arith.remsi %while3A_330, %select_n3A_366 : i32
      %ne3A_368 = arith.constant 0 : i32
      %ne3A_369 = arith.cmpi ne, %rem3A_367, %ne3A_368 : i32
      %lt3A_370 = arith.constant 0 : i32
      %lt3A_371 = arith.cmpi slt, %rem3A_367, %lt3A_370 : i32
      %lt3A_372 = arith.constant 0 : i32
      %lt3A_373 = arith.cmpi slt, %select_n3A_366, %lt3A_372 : i32
      %ne3A_374 = arith.xori %lt3A_371, %lt3A_373 : i1
      %and3A_375 = arith.andi %ne3A_374, %ne3A_369 : i1
      %add3A_376 = arith.addi %rem3A_367, %select_n3A_366 : i32
      %select_n3A_377 = arith.select %and3A_375, %add3A_376, %rem3A_367 : i32
      %mul3A_378 = arith.constant 16 : i32
      %mul3A_379 = arith.muli %select_n3A_377, %mul3A_378 : i32
      %add3A_380 = vector.broadcast %mul3A_379 : i32 to vector<16xi32>
      %add3A_381 = arith.addi %add3A_380, %iota3A : vector<16xi32>
      tpu.vector_store_idx %arg14[%broadcast_in_dim3A, %add3A_381], %get3A_334 : memref<26x128xi32, #tpu.memory_space<vmem>>[vector<16xi32>, vector<16xi32>], vector<16xi32>,
      %gather3A = tpu.vector_load_idx %arg11[%get3A_338] : memref<16384xf32, #tpu.memory_space<vmem>>[vector<16xi32>], vector<16xf32>,
      %sub3A_382 = vector.broadcast %mul3A_10 : i32 to vector<16xi32>
      %sub3A_383 = arith.subi %get3A_334, %sub3A_382 : vector<16xi32>
      tpu.vector_store_idx %arg16[%sub3A_383], %gather3A : memref<3136xf32, #tpu.memory_space<vmem>>[vector<16xi32>], vector<16xf32>,
      %while3A_384 = arith.constant 0 : i32
      scf.yield %while3A_384 : i32
    }
    %while3A_289 = arith.constant 1 : i32
    %while3A_290 = scf.for %while3A_330 = %while3A_286 to %while3A_282 step %while3A_289 iter_args(%while3A_331 = %while3A_288) -> (i32)  : i32 {
      %mul3A_332 = arith.constant 16 : i32
      %mul3A_333 = arith.muli %mul3A_332, %while3A_330 : i32
      %get3A = arith.index_cast %mul3A_333 : i32 to index
      %get3A_334 = tpu.vector_load %arg12[%get3A] {strides = array<i32>} : memref<3264xi32, #tpu.memory_space<vmem>>, vector<16xi32>,
      %mul3A_335 = arith.constant 16 : i32
      %mul3A_336 = arith.muli %mul3A_335, %while3A_330 : i32
      %get3A_337 = arith.index_cast %mul3A_336 : i32 to index
      %get3A_338 = tpu.vector_load %arg13[%get3A_337] {strides = array<i32>} : memref<3264xi32, #tpu.memory_space<vmem>>, vector<16xi32>,
      %jit3A_339 = arith.constant 8 : i32
      %div3A_340 = arith.divsi %while3A_330, %jit3A_339 : i32
      %sign3A_341 = arith.constant 0 : i32
      %sign3A_342 = arith.cmpi sgt, %while3A_330, %sign3A_341 : i32
      %sign3A_343 = arith.extui %sign3A_342 : i1 to i32
      %sign3A_344 = arith.constant 0 : i32
      %sign3A_345 = arith.cmpi slt, %while3A_330, %sign3A_344 : i32
      %sign3A_346 = arith.extui %sign3A_345 : i1 to i32
      %sign3A_347 = arith.subi %sign3A_343, %sign3A_346 : i32
      %sign3A_348 = arith.constant 0 : i32
      %sign3A_349 = arith.cmpi sgt, %jit3A_339, %sign3A_348 : i32
      %sign3A_350 = arith.extui %sign3A_349 : i1 to i32
      %sign3A_351 = arith.constant 0 : i32
      %sign3A_352 = arith.cmpi slt, %jit3A_339, %sign3A_351 : i32
      %sign3A_353 = arith.extui %sign3A_352 : i1 to i32
      %sign3A_354 = arith.subi %sign3A_350, %sign3A_353 : i32
      %ne3A_355 = arith.cmpi ne, %sign3A_347, %sign3A_354 : i32
      %rem3A_356 = arith.remsi %while3A_330, %jit3A_339 : i32
      %ne3A_357 = arith.constant 0 : i32
      %ne3A_358 = arith.cmpi ne, %rem3A_356, %ne3A_357 : i32
      %and3A_359 = arith.andi %ne3A_355, %ne3A_358 : i1
      %sub3A_360 = arith.constant 1 : i32
      %sub3A_361 = arith.subi %div3A_340, %sub3A_360 : i32
      %select_n3A_362 = arith.select %and3A_359, %sub3A_361, %div3A_340 : i32
      %broadcast_in_dim3A = vector.broadcast %select_n3A_362 : i32 to vector<16xi32>
      %jit3A_363 = arith.constant 8 : i32
      %eq3A = arith.constant 0 : i32
      %eq3A_364 = arith.cmpi eq, %jit3A_363, %eq3A : i32
      %jit3A_365 = arith.constant 1 : i32
      %select_n3A_366 = arith.select %eq3A_364, %jit3A_365, %jit3A_363 : i32
      %rem3A_367 = arith.remsi %while3A_330, %select_n3A_366 : i32
      %ne3A_368 = arith.constant 0 : i32
      %ne3A_369 = arith.cmpi ne, %rem3A_367, %ne3A_368 : i32
      %lt3A_370 = arith.constant 0 : i32
      %lt3A_371 = arith.cmpi slt, %rem3A_367, %lt3A_370 : i32
      %lt3A_372 = arith.constant 0 : i32
      %lt3A_373 = arith.cmpi slt, %select_n3A_366, %lt3A_372 : i32
      %ne3A_374 = arith.xori %lt3A_371, %lt3A_373 : i1
      %and3A_375 = arith.andi %ne3A_374, %ne3A_369 : i1
      %add3A_376 = arith.addi %rem3A_367, %select_n3A_366 : i32
      %select_n3A_377 = arith.select %and3A_375, %add3A_376, %rem3A_367 : i32
      %mul3A_378 = arith.constant 16 : i32
      %mul3A_379 = arith.muli %select_n3A_377, %mul3A_378 : i32
      %add3A_380 = vector.broadcast %mul3A_379 : i32 to vector<16xi32>
      %add3A_381 = arith.addi %add3A_380, %iota3A : vector<16xi32>
      tpu.vector_store_idx %arg14[%broadcast_in_dim3A, %add3A_381], %get3A_334 : memref<26x128xi32, #tpu.memory_space<vmem>>[vector<16xi32>, vector<16xi32>], vector<16xi32>,
      %gather3A = tpu.vector_load_idx %arg11[%get3A_338] : memref<16384xf32, #tpu.memory_space<vmem>>[vector<16xi32>], vector<16xf32>,
      %sub3A_382 = vector.broadcast %mul3A_10 : i32 to vector<16xi32>
      %sub3A_383 = arith.subi %get3A_334, %sub3A_382 : vector<16xi32>
      tpu.vector_store_idx %arg16[%sub3A_383], %gather3A : memref<3136xf32, #tpu.memory_space<vmem>>[vector<16xi32>], vector<16xf32>,
      %while3A_384 = arith.constant 0 : i32
      scf.yield %while3A_384 : i32
    }
    %while3A_291 = arith.constant 0 : i32
    %while3A_292 = arith.constant 0 : i32
    %while3A_293 = arith.subi %select_n3A_274, %while3A_291 : i32
    %while3A_294 = arith.addi %while3A_291, %while3A_293 : i32
    %while3A_295 = arith.constant 1 : i32
    %while3A_296 = arith.divsi %while3A_293, %while3A_295 : i32
    %while3A_297 = arith.muli %while3A_296, %while3A_295 : i32
    %while3A_298 = arith.addi %while3A_291, %while3A_297 : i32
    %while3A_299 = arith.constant 1 : i32
    %while3A_300 = scf.for %while3A_330 = %while3A_291 to %while3A_298 step %while3A_299 iter_args(%while3A_331 = %while3A_292) -> (i32)  : i32 {
      %rem3A_332 = arith.constant 2 : i32
      %rem3A_333 = arith.remsi %while3A_330, %rem3A_332 : i32
      %eq3A = arith.constant 0 : i32
      %eq3A_334 = arith.cmpi eq, %rem3A_333, %eq3A : i32
      %convert_element_type3A_335 = arith.extui %eq3A_334 : i1 to i32
      %cond3A_336 = arith.constant 0 : i32
      %cond3A_337 = arith.cmpi ne, %convert_element_type3A_335, %cond3A_336 : i32
      scf.if %cond3A_337 {
        %ge3A = arith.constant 2 : i32
        %ge3A_346 = arith.cmpi sge, %while3A_330, %ge3A : i32
        %convert_element_type3A_347 = arith.extui %ge3A_346 : i1 to i32
        %cond3A_348 = arith.constant 0 : i32
        %cond3A_349 = arith.cmpi ne, %convert_element_type3A_347, %cond3A_348 : i32
        scf.if %cond3A_349 {
          %sub3A_375 = arith.constant 2 : i32
          %sub3A_376 = arith.subi %while3A_330, %sub3A_375 : i32
          %dma_wait3A_377 = arith.constant 0 : i32
          %dma_wait3A_378 = arith.constant 0 : i32
          %dma_wait3A_379 = tpu.memref_slice %arg17[%dma_wait3A_377, %dma_wait3A_378] : memref<256x128xf32, #tpu.memory_space<vmem>> -> memref<128x128xf32, #tpu.memory_space<vmem>>
          %dma_wait3A_380 = arith.constant 0 : i32
          %dma_wait3A_381 = tpu.memref_slice %arg14[%sub3A_376, %dma_wait3A_380] : memref<26x128xi32, #tpu.memory_space<vmem>> -> memref<1x128xi32, #tpu.memory_space<vmem>>
          %dma_wait3A_382 = tpu.memref_squeeze %dma_wait3A_381 : memref<1x128xi32, #tpu.memory_space<vmem>> -> memref<128xi32, #tpu.memory_space<vmem>>
          %dma_wait3A_383 = arith.constant 0 : i32
          %dma_wait3A_384 = arith.constant 0 : i32
          %dma_wait3A_385 = tpu.memref_slice %arg7[%dma_wait3A_383, %dma_wait3A_384] : memref<100000x128xf32, #tpu.memory_space<hbm>> -> memref<100000x128xf32, #tpu.memory_space<hbm>>
          tpu.wait_indirect_dma semaphore(%arg21 : memref<!tpu.dma_semaphore, #tpu.memory_space<semaphore_mem>>) src(%dma_wait3A_379 : memref<128x128xf32, #tpu.memory_space<vmem>>) dst(%dma_wait3A_385 : memref<100000x128xf32, #tpu.memory_space<hbm>>)
        } else {
        }
        %mul3A_350 = arith.constant 128 : i32
        %mul3A_351 = arith.muli %mul3A_350, %while3A_330 : i32
        %dma_start3A_352 = arith.constant 0 : i32
        %dma_start3A_353 = arith.constant 0 : i32
        %dma_start3A_354 = tpu.memref_slice %arg17[%dma_start3A_352, %dma_start3A_353] : memref<256x128xf32, #tpu.memory_space<vmem>> -> memref<128x128xf32, #tpu.memory_space<vmem>>
        %dma_start3A_355 = tpu.memref_slice %arg13[%mul3A_351] : memref<3264xi32, #tpu.memory_space<vmem>> -> memref<128xi32, #tpu.memory_space<vmem>>
        %dma_start3A_356 = arith.constant 0 : i32
        %dma_start3A_357 = arith.constant 0 : i32
        %dma_start3A_358 = tpu.memref_slice %arg4[%dma_start3A_356, %dma_start3A_357] : memref<16384x128xf32, #tpu.memory_space<hbm>> -> memref<16384x128xf32, #tpu.memory_space<hbm>>
        tpu.enqueue_indirect_dma source(%dma_start3A_358 : memref<16384x128xf32, #tpu.memory_space<hbm>>) target(%dma_start3A_354 : memref<128x128xf32, #tpu.memory_space<vmem>>) offsets(%dma_start3A_355 : memref<128xi32, #tpu.memory_space<vmem>>) semaphore(%arg19 : memref<!tpu.dma_semaphore, #tpu.memory_space<semaphore_mem>>)
        %dma_wait3A_359 = arith.constant 0 : i32
        %dma_wait3A_360 = arith.constant 0 : i32
        %dma_wait3A_361 = tpu.memref_slice %arg17[%dma_wait3A_359, %dma_wait3A_360] : memref<256x128xf32, #tpu.memory_space<vmem>> -> memref<128x128xf32, #tpu.memory_space<vmem>>
        %dma_wait3A_362 = tpu.memref_slice %arg13[%mul3A_351] : memref<3264xi32, #tpu.memory_space<vmem>> -> memref<128xi32, #tpu.memory_space<vmem>>
        %dma_wait3A_363 = arith.constant 0 : i32
        %dma_wait3A_364 = arith.constant 0 : i32
        %dma_wait3A_365 = tpu.memref_slice %arg4[%dma_wait3A_363, %dma_wait3A_364] : memref<16384x128xf32, #tpu.memory_space<hbm>> -> memref<16384x128xf32, #tpu.memory_space<hbm>>
        tpu.wait_indirect_dma semaphore(%arg19 : memref<!tpu.dma_semaphore, #tpu.memory_space<semaphore_mem>>) src(%dma_wait3A_365 : memref<16384x128xf32, #tpu.memory_space<hbm>>) dst(%dma_wait3A_361 : memref<128x128xf32, #tpu.memory_space<vmem>>)
        %dma_start3A_366 = arith.constant 0 : i32
        %dma_start3A_367 = arith.constant 0 : i32
        %dma_start3A_368 = tpu.memref_slice %arg17[%dma_start3A_366, %dma_start3A_367] : memref<256x128xf32, #tpu.memory_space<vmem>> -> memref<128x128xf32, #tpu.memory_space<vmem>>
        %dma_start3A_369 = arith.constant 0 : i32
        %dma_start3A_370 = tpu.memref_slice %arg14[%while3A_330, %dma_start3A_369] : memref<26x128xi32, #tpu.memory_space<vmem>> -> memref<1x128xi32, #tpu.memory_space<vmem>>
        %dma_start3A_371 = tpu.memref_squeeze %dma_start3A_370 : memref<1x128xi32, #tpu.memory_space<vmem>> -> memref<128xi32, #tpu.memory_space<vmem>>
        %dma_start3A_372 = arith.constant 0 : i32
        %dma_start3A_373 = arith.constant 0 : i32
        %dma_start3A_374 = tpu.memref_slice %arg7[%dma_start3A_372, %dma_start3A_373] : memref<100000x128xf32, #tpu.memory_space<hbm>> -> memref<100000x128xf32, #tpu.memory_space<hbm>>
        tpu.enqueue_indirect_dma source(%dma_start3A_368 : memref<128x128xf32, #tpu.memory_space<vmem>>) target(%dma_start3A_374 : memref<100000x128xf32, #tpu.memory_space<hbm>>) offsets(%dma_start3A_371 : memref<128xi32, #tpu.memory_space<vmem>>) semaphore(%arg21 : memref<!tpu.dma_semaphore, #tpu.memory_space<semaphore_mem>>)
      } else {
      }
      %rem3A_338 = arith.constant 2 : i32
      %rem3A_339 = arith.remsi %while3A_330, %rem3A_338 : i32
      %eq3A_340 = arith.constant 1 : i32
      %eq3A_341 = arith.cmpi eq, %rem3A_339, %eq3A_340 : i32
      %convert_element_type3A_342 = arith.extui %eq3A_341 : i1 to i32
      %cond3A_343 = arith.constant 0 : i32
      %cond3A_344 = arith.cmpi ne, %convert_element_type3A_342, %cond3A_343 : i32
      scf.if %cond3A_344 {
        %ge3A = arith.constant 2 : i32
        %ge3A_346 = arith.cmpi sge, %while3A_330, %ge3A : i32
        %convert_element_type3A_347 = arith.extui %ge3A_346 : i1 to i32
        %cond3A_348 = arith.constant 0 : i32
        %cond3A_349 = arith.cmpi ne, %convert_element_type3A_347, %cond3A_348 : i32
        scf.if %cond3A_349 {
          %sub3A_375 = arith.constant 2 : i32
          %sub3A_376 = arith.subi %while3A_330, %sub3A_375 : i32
          %dma_wait3A_377 = arith.constant 0 : i32
          %dma_wait3A_378 = arith.constant 0 : i32
          %dma_wait3A_379 = tpu.memref_slice %arg18[%dma_wait3A_377, %dma_wait3A_378] : memref<256x128xf32, #tpu.memory_space<vmem>> -> memref<128x128xf32, #tpu.memory_space<vmem>>
          %dma_wait3A_380 = arith.constant 0 : i32
          %dma_wait3A_381 = tpu.memref_slice %arg14[%sub3A_376, %dma_wait3A_380] : memref<26x128xi32, #tpu.memory_space<vmem>> -> memref<1x128xi32, #tpu.memory_space<vmem>>
          %dma_wait3A_382 = tpu.memref_squeeze %dma_wait3A_381 : memref<1x128xi32, #tpu.memory_space<vmem>> -> memref<128xi32, #tpu.memory_space<vmem>>
          %dma_wait3A_383 = arith.constant 0 : i32
          %dma_wait3A_384 = arith.constant 0 : i32
          %dma_wait3A_385 = tpu.memref_slice %arg7[%dma_wait3A_383, %dma_wait3A_384] : memref<100000x128xf32, #tpu.memory_space<hbm>> -> memref<100000x128xf32, #tpu.memory_space<hbm>>
          tpu.wait_indirect_dma semaphore(%arg22 : memref<!tpu.dma_semaphore, #tpu.memory_space<semaphore_mem>>) src(%dma_wait3A_379 : memref<128x128xf32, #tpu.memory_space<vmem>>) dst(%dma_wait3A_385 : memref<100000x128xf32, #tpu.memory_space<hbm>>)
        } else {
        }
        %mul3A_350 = arith.constant 128 : i32
        %mul3A_351 = arith.muli %mul3A_350, %while3A_330 : i32
        %dma_start3A_352 = arith.constant 0 : i32
        %dma_start3A_353 = arith.constant 0 : i32
        %dma_start3A_354 = tpu.memref_slice %arg18[%dma_start3A_352, %dma_start3A_353] : memref<256x128xf32, #tpu.memory_space<vmem>> -> memref<128x128xf32, #tpu.memory_space<vmem>>
        %dma_start3A_355 = tpu.memref_slice %arg13[%mul3A_351] : memref<3264xi32, #tpu.memory_space<vmem>> -> memref<128xi32, #tpu.memory_space<vmem>>
        %dma_start3A_356 = arith.constant 0 : i32
        %dma_start3A_357 = arith.constant 0 : i32
        %dma_start3A_358 = tpu.memref_slice %arg4[%dma_start3A_356, %dma_start3A_357] : memref<16384x128xf32, #tpu.memory_space<hbm>> -> memref<16384x128xf32, #tpu.memory_space<hbm>>
        tpu.enqueue_indirect_dma source(%dma_start3A_358 : memref<16384x128xf32, #tpu.memory_space<hbm>>) target(%dma_start3A_354 : memref<128x128xf32, #tpu.memory_space<vmem>>) offsets(%dma_start3A_355 : memref<128xi32, #tpu.memory_space<vmem>>) semaphore(%arg20 : memref<!tpu.dma_semaphore, #tpu.memory_space<semaphore_mem>>)
        %dma_wait3A_359 = arith.constant 0 : i32
        %dma_wait3A_360 = arith.constant 0 : i32
        %dma_wait3A_361 = tpu.memref_slice %arg18[%dma_wait3A_359, %dma_wait3A_360] : memref<256x128xf32, #tpu.memory_space<vmem>> -> memref<128x128xf32, #tpu.memory_space<vmem>>
        %dma_wait3A_362 = tpu.memref_slice %arg13[%mul3A_351] : memref<3264xi32, #tpu.memory_space<vmem>> -> memref<128xi32, #tpu.memory_space<vmem>>
        %dma_wait3A_363 = arith.constant 0 : i32
        %dma_wait3A_364 = arith.constant 0 : i32
        %dma_wait3A_365 = tpu.memref_slice %arg4[%dma_wait3A_363, %dma_wait3A_364] : memref<16384x128xf32, #tpu.memory_space<hbm>> -> memref<16384x128xf32, #tpu.memory_space<hbm>>
        tpu.wait_indirect_dma semaphore(%arg20 : memref<!tpu.dma_semaphore, #tpu.memory_space<semaphore_mem>>) src(%dma_wait3A_365 : memref<16384x128xf32, #tpu.memory_space<hbm>>) dst(%dma_wait3A_361 : memref<128x128xf32, #tpu.memory_space<vmem>>)
        %dma_start3A_366 = arith.constant 0 : i32
        %dma_start3A_367 = arith.constant 0 : i32
        %dma_start3A_368 = tpu.memref_slice %arg18[%dma_start3A_366, %dma_start3A_367] : memref<256x128xf32, #tpu.memory_space<vmem>> -> memref<128x128xf32, #tpu.memory_space<vmem>>
        %dma_start3A_369 = arith.constant 0 : i32
        %dma_start3A_370 = tpu.memref_slice %arg14[%while3A_330, %dma_start3A_369] : memref<26x128xi32, #tpu.memory_space<vmem>> -> memref<1x128xi32, #tpu.memory_space<vmem>>
        %dma_start3A_371 = tpu.memref_squeeze %dma_start3A_370 : memref<1x128xi32, #tpu.memory_space<vmem>> -> memref<128xi32, #tpu.memory_space<vmem>>
        %dma_start3A_372 = arith.constant 0 : i32
        %dma_start3A_373 = arith.constant 0 : i32
        %dma_start3A_374 = tpu.memref_slice %arg7[%dma_start3A_372, %dma_start3A_373] : memref<100000x128xf32, #tpu.memory_space<hbm>> -> memref<100000x128xf32, #tpu.memory_space<hbm>>
        tpu.enqueue_indirect_dma source(%dma_start3A_368 : memref<128x128xf32, #tpu.memory_space<vmem>>) target(%dma_start3A_374 : memref<100000x128xf32, #tpu.memory_space<hbm>>) offsets(%dma_start3A_371 : memref<128xi32, #tpu.memory_space<vmem>>) semaphore(%arg22 : memref<!tpu.dma_semaphore, #tpu.memory_space<semaphore_mem>>)
      } else {
      }
      %while3A_345 = arith.constant 0 : i32
      scf.yield %while3A_345 : i32
    }
    %while3A_301 = arith.constant 1 : i32
    %while3A_302 = scf.for %while3A_330 = %while3A_298 to %while3A_294 step %while3A_301 iter_args(%while3A_331 = %while3A_300) -> (i32)  : i32 {
      %rem3A_332 = arith.constant 2 : i32
      %rem3A_333 = arith.remsi %while3A_330, %rem3A_332 : i32
      %eq3A = arith.constant 0 : i32
      %eq3A_334 = arith.cmpi eq, %rem3A_333, %eq3A : i32
      %convert_element_type3A_335 = arith.extui %eq3A_334 : i1 to i32
      %cond3A_336 = arith.constant 0 : i32
      %cond3A_337 = arith.cmpi ne, %convert_element_type3A_335, %cond3A_336 : i32
      scf.if %cond3A_337 {
        %ge3A = arith.constant 2 : i32
        %ge3A_346 = arith.cmpi sge, %while3A_330, %ge3A : i32
        %convert_element_type3A_347 = arith.extui %ge3A_346 : i1 to i32
        %cond3A_348 = arith.constant 0 : i32
        %cond3A_349 = arith.cmpi ne, %convert_element_type3A_347, %cond3A_348 : i32
        scf.if %cond3A_349 {
          %sub3A_375 = arith.constant 2 : i32
          %sub3A_376 = arith.subi %while3A_330, %sub3A_375 : i32
          %dma_wait3A_377 = arith.constant 0 : i32
          %dma_wait3A_378 = arith.constant 0 : i32
          %dma_wait3A_379 = tpu.memref_slice %arg17[%dma_wait3A_377, %dma_wait3A_378] : memref<256x128xf32, #tpu.memory_space<vmem>> -> memref<128x128xf32, #tpu.memory_space<vmem>>
          %dma_wait3A_380 = arith.constant 0 : i32
          %dma_wait3A_381 = tpu.memref_slice %arg14[%sub3A_376, %dma_wait3A_380] : memref<26x128xi32, #tpu.memory_space<vmem>> -> memref<1x128xi32, #tpu.memory_space<vmem>>
          %dma_wait3A_382 = tpu.memref_squeeze %dma_wait3A_381 : memref<1x128xi32, #tpu.memory_space<vmem>> -> memref<128xi32, #tpu.memory_space<vmem>>
          %dma_wait3A_383 = arith.constant 0 : i32
          %dma_wait3A_384 = arith.constant 0 : i32
          %dma_wait3A_385 = tpu.memref_slice %arg7[%dma_wait3A_383, %dma_wait3A_384] : memref<100000x128xf32, #tpu.memory_space<hbm>> -> memref<100000x128xf32, #tpu.memory_space<hbm>>
          tpu.wait_indirect_dma semaphore(%arg21 : memref<!tpu.dma_semaphore, #tpu.memory_space<semaphore_mem>>) src(%dma_wait3A_379 : memref<128x128xf32, #tpu.memory_space<vmem>>) dst(%dma_wait3A_385 : memref<100000x128xf32, #tpu.memory_space<hbm>>)
        } else {
        }
        %mul3A_350 = arith.constant 128 : i32
        %mul3A_351 = arith.muli %mul3A_350, %while3A_330 : i32
        %dma_start3A_352 = arith.constant 0 : i32
        %dma_start3A_353 = arith.constant 0 : i32
        %dma_start3A_354 = tpu.memref_slice %arg17[%dma_start3A_352, %dma_start3A_353] : memref<256x128xf32, #tpu.memory_space<vmem>> -> memref<128x128xf32, #tpu.memory_space<vmem>>
        %dma_start3A_355 = tpu.memref_slice %arg13[%mul3A_351] : memref<3264xi32, #tpu.memory_space<vmem>> -> memref<128xi32, #tpu.memory_space<vmem>>
        %dma_start3A_356 = arith.constant 0 : i32
        %dma_start3A_357 = arith.constant 0 : i32
        %dma_start3A_358 = tpu.memref_slice %arg4[%dma_start3A_356, %dma_start3A_357] : memref<16384x128xf32, #tpu.memory_space<hbm>> -> memref<16384x128xf32, #tpu.memory_space<hbm>>
        tpu.enqueue_indirect_dma source(%dma_start3A_358 : memref<16384x128xf32, #tpu.memory_space<hbm>>) target(%dma_start3A_354 : memref<128x128xf32, #tpu.memory_space<vmem>>) offsets(%dma_start3A_355 : memref<128xi32, #tpu.memory_space<vmem>>) semaphore(%arg19 : memref<!tpu.dma_semaphore, #tpu.memory_space<semaphore_mem>>)
        %dma_wait3A_359 = arith.constant 0 : i32
        %dma_wait3A_360 = arith.constant 0 : i32
        %dma_wait3A_361 = tpu.memref_slice %arg17[%dma_wait3A_359, %dma_wait3A_360] : memref<256x128xf32, #tpu.memory_space<vmem>> -> memref<128x128xf32, #tpu.memory_space<vmem>>
        %dma_wait3A_362 = tpu.memref_slice %arg13[%mul3A_351] : memref<3264xi32, #tpu.memory_space<vmem>> -> memref<128xi32, #tpu.memory_space<vmem>>
        %dma_wait3A_363 = arith.constant 0 : i32
        %dma_wait3A_364 = arith.constant 0 : i32
        %dma_wait3A_365 = tpu.memref_slice %arg4[%dma_wait3A_363, %dma_wait3A_364] : memref<16384x128xf32, #tpu.memory_space<hbm>> -> memref<16384x128xf32, #tpu.memory_space<hbm>>
        tpu.wait_indirect_dma semaphore(%arg19 : memref<!tpu.dma_semaphore, #tpu.memory_space<semaphore_mem>>) src(%dma_wait3A_365 : memref<16384x128xf32, #tpu.memory_space<hbm>>) dst(%dma_wait3A_361 : memref<128x128xf32, #tpu.memory_space<vmem>>)
        %dma_start3A_366 = arith.constant 0 : i32
        %dma_start3A_367 = arith.constant 0 : i32
        %dma_start3A_368 = tpu.memref_slice %arg17[%dma_start3A_366, %dma_start3A_367] : memref<256x128xf32, #tpu.memory_space<vmem>> -> memref<128x128xf32, #tpu.memory_space<vmem>>
        %dma_start3A_369 = arith.constant 0 : i32
        %dma_start3A_370 = tpu.memref_slice %arg14[%while3A_330, %dma_start3A_369] : memref<26x128xi32, #tpu.memory_space<vmem>> -> memref<1x128xi32, #tpu.memory_space<vmem>>
        %dma_start3A_371 = tpu.memref_squeeze %dma_start3A_370 : memref<1x128xi32, #tpu.memory_space<vmem>> -> memref<128xi32, #tpu.memory_space<vmem>>
        %dma_start3A_372 = arith.constant 0 : i32
        %dma_start3A_373 = arith.constant 0 : i32
        %dma_start3A_374 = tpu.memref_slice %arg7[%dma_start3A_372, %dma_start3A_373] : memref<100000x128xf32, #tpu.memory_space<hbm>> -> memref<100000x128xf32, #tpu.memory_space<hbm>>
        tpu.enqueue_indirect_dma source(%dma_start3A_368 : memref<128x128xf32, #tpu.memory_space<vmem>>) target(%dma_start3A_374 : memref<100000x128xf32, #tpu.memory_space<hbm>>) offsets(%dma_start3A_371 : memref<128xi32, #tpu.memory_space<vmem>>) semaphore(%arg21 : memref<!tpu.dma_semaphore, #tpu.memory_space<semaphore_mem>>)
      } else {
      }
      %rem3A_338 = arith.constant 2 : i32
      %rem3A_339 = arith.remsi %while3A_330, %rem3A_338 : i32
      %eq3A_340 = arith.constant 1 : i32
      %eq3A_341 = arith.cmpi eq, %rem3A_339, %eq3A_340 : i32
      %convert_element_type3A_342 = arith.extui %eq3A_341 : i1 to i32
      %cond3A_343 = arith.constant 0 : i32
      %cond3A_344 = arith.cmpi ne, %convert_element_type3A_342, %cond3A_343 : i32
      scf.if %cond3A_344 {
        %ge3A = arith.constant 2 : i32
        %ge3A_346 = arith.cmpi sge, %while3A_330, %ge3A : i32
        %convert_element_type3A_347 = arith.extui %ge3A_346 : i1 to i32
        %cond3A_348 = arith.constant 0 : i32
        %cond3A_349 = arith.cmpi ne, %convert_element_type3A_347, %cond3A_348 : i32
        scf.if %cond3A_349 {
          %sub3A_375 = arith.constant 2 : i32
          %sub3A_376 = arith.subi %while3A_330, %sub3A_375 : i32
          %dma_wait3A_377 = arith.constant 0 : i32
          %dma_wait3A_378 = arith.constant 0 : i32
          %dma_wait3A_379 = tpu.memref_slice %arg18[%dma_wait3A_377, %dma_wait3A_378] : memref<256x128xf32, #tpu.memory_space<vmem>> -> memref<128x128xf32, #tpu.memory_space<vmem>>
          %dma_wait3A_380 = arith.constant 0 : i32
          %dma_wait3A_381 = tpu.memref_slice %arg14[%sub3A_376, %dma_wait3A_380] : memref<26x128xi32, #tpu.memory_space<vmem>> -> memref<1x128xi32, #tpu.memory_space<vmem>>
          %dma_wait3A_382 = tpu.memref_squeeze %dma_wait3A_381 : memref<1x128xi32, #tpu.memory_space<vmem>> -> memref<128xi32, #tpu.memory_space<vmem>>
          %dma_wait3A_383 = arith.constant 0 : i32
          %dma_wait3A_384 = arith.constant 0 : i32
          %dma_wait3A_385 = tpu.memref_slice %arg7[%dma_wait3A_383, %dma_wait3A_384] : memref<100000x128xf32, #tpu.memory_space<hbm>> -> memref<100000x128xf32, #tpu.memory_space<hbm>>
          tpu.wait_indirect_dma semaphore(%arg22 : memref<!tpu.dma_semaphore, #tpu.memory_space<semaphore_mem>>) src(%dma_wait3A_379 : memref<128x128xf32, #tpu.memory_space<vmem>>) dst(%dma_wait3A_385 : memref<100000x128xf32, #tpu.memory_space<hbm>>)
        } else {
        }
        %mul3A_350 = arith.constant 128 : i32
        %mul3A_351 = arith.muli %mul3A_350, %while3A_330 : i32
        %dma_start3A_352 = arith.constant 0 : i32
        %dma_start3A_353 = arith.constant 0 : i32
        %dma_start3A_354 = tpu.memref_slice %arg18[%dma_start3A_352, %dma_start3A_353] : memref<256x128xf32, #tpu.memory_space<vmem>> -> memref<128x128xf32, #tpu.memory_space<vmem>>
        %dma_start3A_355 = tpu.memref_slice %arg13[%mul3A_351] : memref<3264xi32, #tpu.memory_space<vmem>> -> memref<128xi32, #tpu.memory_space<vmem>>
        %dma_start3A_356 = arith.constant 0 : i32
        %dma_start3A_357 = arith.constant 0 : i32
        %dma_start3A_358 = tpu.memref_slice %arg4[%dma_start3A_356, %dma_start3A_357] : memref<16384x128xf32, #tpu.memory_space<hbm>> -> memref<16384x128xf32, #tpu.memory_space<hbm>>
        tpu.enqueue_indirect_dma source(%dma_start3A_358 : memref<16384x128xf32, #tpu.memory_space<hbm>>) target(%dma_start3A_354 : memref<128x128xf32, #tpu.memory_space<vmem>>) offsets(%dma_start3A_355 : memref<128xi32, #tpu.memory_space<vmem>>) semaphore(%arg20 : memref<!tpu.dma_semaphore, #tpu.memory_space<semaphore_mem>>)
        %dma_wait3A_359 = arith.constant 0 : i32
        %dma_wait3A_360 = arith.constant 0 : i32
        %dma_wait3A_361 = tpu.memref_slice %arg18[%dma_wait3A_359, %dma_wait3A_360] : memref<256x128xf32, #tpu.memory_space<vmem>> -> memref<128x128xf32, #tpu.memory_space<vmem>>
        %dma_wait3A_362 = tpu.memref_slice %arg13[%mul3A_351] : memref<3264xi32, #tpu.memory_space<vmem>> -> memref<128xi32, #tpu.memory_space<vmem>>
        %dma_wait3A_363 = arith.constant 0 : i32
        %dma_wait3A_364 = arith.constant 0 : i32
        %dma_wait3A_365 = tpu.memref_slice %arg4[%dma_wait3A_363, %dma_wait3A_364] : memref<16384x128xf32, #tpu.memory_space<hbm>> -> memref<16384x128xf32, #tpu.memory_space<hbm>>
        tpu.wait_indirect_dma semaphore(%arg20 : memref<!tpu.dma_semaphore, #tpu.memory_space<semaphore_mem>>) src(%dma_wait3A_365 : memref<16384x128xf32, #tpu.memory_space<hbm>>) dst(%dma_wait3A_361 : memref<128x128xf32, #tpu.memory_space<vmem>>)
        %dma_start3A_366 = arith.constant 0 : i32
        %dma_start3A_367 = arith.constant 0 : i32
        %dma_start3A_368 = tpu.memref_slice %arg18[%dma_start3A_366, %dma_start3A_367] : memref<256x128xf32, #tpu.memory_space<vmem>> -> memref<128x128xf32, #tpu.memory_space<vmem>>
        %dma_start3A_369 = arith.constant 0 : i32
        %dma_start3A_370 = tpu.memref_slice %arg14[%while3A_330, %dma_start3A_369] : memref<26x128xi32, #tpu.memory_space<vmem>> -> memref<1x128xi32, #tpu.memory_space<vmem>>
        %dma_start3A_371 = tpu.memref_squeeze %dma_start3A_370 : memref<1x128xi32, #tpu.memory_space<vmem>> -> memref<128xi32, #tpu.memory_space<vmem>>
        %dma_start3A_372 = arith.constant 0 : i32
        %dma_start3A_373 = arith.constant 0 : i32
        %dma_start3A_374 = tpu.memref_slice %arg7[%dma_start3A_372, %dma_start3A_373] : memref<100000x128xf32, #tpu.memory_space<hbm>> -> memref<100000x128xf32, #tpu.memory_space<hbm>>
        tpu.enqueue_indirect_dma source(%dma_start3A_368 : memref<128x128xf32, #tpu.memory_space<vmem>>) target(%dma_start3A_374 : memref<100000x128xf32, #tpu.memory_space<hbm>>) offsets(%dma_start3A_371 : memref<128xi32, #tpu.memory_space<vmem>>) semaphore(%arg22 : memref<!tpu.dma_semaphore, #tpu.memory_space<semaphore_mem>>)
      } else {
      }
      %while3A_345 = arith.constant 0 : i32
      scf.yield %while3A_345 : i32
    }
    %gt3A_303 = arith.constant 1 : i32
    %gt3A_304 = arith.cmpi sgt, %select_n3A_274, %gt3A_303 : i32
    %convert_element_type3A_305 = arith.extui %gt3A_304 : i1 to i32
    %cond3A_306 = arith.constant 0 : i32
    %cond3A_307 = arith.cmpi ne, %convert_element_type3A_305, %cond3A_306 : i32
    scf.if %cond3A_307 {
      %sub3A_330 = arith.constant 2 : i32
      %sub3A_331 = arith.subi %select_n3A_274, %sub3A_330 : i32
      %rem3A_332 = arith.constant 2 : i32
      %rem3A_333 = arith.remsi %sub3A_331, %rem3A_332 : i32
      %eq3A = arith.constant 0 : i32
      %eq3A_334 = arith.cmpi eq, %rem3A_333, %eq3A : i32
      %convert_element_type3A_335 = arith.extui %eq3A_334 : i1 to i32
      %cond3A_336 = arith.constant 0 : i32
      %cond3A_337 = arith.cmpi ne, %convert_element_type3A_335, %cond3A_336 : i32
      scf.if %cond3A_337 {
        %dma_wait3A_345 = arith.constant 0 : i32
        %dma_wait3A_346 = arith.constant 0 : i32
        %dma_wait3A_347 = tpu.memref_slice %arg17[%dma_wait3A_345, %dma_wait3A_346] : memref<256x128xf32, #tpu.memory_space<vmem>> -> memref<128x128xf32, #tpu.memory_space<vmem>>
        %dma_wait3A_348 = arith.constant 0 : i32
        %dma_wait3A_349 = tpu.memref_slice %arg14[%sub3A_331, %dma_wait3A_348] : memref<26x128xi32, #tpu.memory_space<vmem>> -> memref<1x128xi32, #tpu.memory_space<vmem>>
        %dma_wait3A_350 = tpu.memref_squeeze %dma_wait3A_349 : memref<1x128xi32, #tpu.memory_space<vmem>> -> memref<128xi32, #tpu.memory_space<vmem>>
        %dma_wait3A_351 = arith.constant 0 : i32
        %dma_wait3A_352 = arith.constant 0 : i32
        %dma_wait3A_353 = tpu.memref_slice %arg7[%dma_wait3A_351, %dma_wait3A_352] : memref<100000x128xf32, #tpu.memory_space<hbm>> -> memref<100000x128xf32, #tpu.memory_space<hbm>>
        tpu.wait_indirect_dma semaphore(%arg21 : memref<!tpu.dma_semaphore, #tpu.memory_space<semaphore_mem>>) src(%dma_wait3A_347 : memref<128x128xf32, #tpu.memory_space<vmem>>) dst(%dma_wait3A_353 : memref<100000x128xf32, #tpu.memory_space<hbm>>)
      } else {
      }
      %rem3A_338 = arith.constant 2 : i32
      %rem3A_339 = arith.remsi %sub3A_331, %rem3A_338 : i32
      %eq3A_340 = arith.constant 1 : i32
      %eq3A_341 = arith.cmpi eq, %rem3A_339, %eq3A_340 : i32
      %convert_element_type3A_342 = arith.extui %eq3A_341 : i1 to i32
      %cond3A_343 = arith.constant 0 : i32
      %cond3A_344 = arith.cmpi ne, %convert_element_type3A_342, %cond3A_343 : i32
      scf.if %cond3A_344 {
        %dma_wait3A_345 = arith.constant 0 : i32
        %dma_wait3A_346 = arith.constant 0 : i32
        %dma_wait3A_347 = tpu.memref_slice %arg18[%dma_wait3A_345, %dma_wait3A_346] : memref<256x128xf32, #tpu.memory_space<vmem>> -> memref<128x128xf32, #tpu.memory_space<vmem>>
        %dma_wait3A_348 = arith.constant 0 : i32
        %dma_wait3A_349 = tpu.memref_slice %arg14[%sub3A_331, %dma_wait3A_348] : memref<26x128xi32, #tpu.memory_space<vmem>> -> memref<1x128xi32, #tpu.memory_space<vmem>>
        %dma_wait3A_350 = tpu.memref_squeeze %dma_wait3A_349 : memref<1x128xi32, #tpu.memory_space<vmem>> -> memref<128xi32, #tpu.memory_space<vmem>>
        %dma_wait3A_351 = arith.constant 0 : i32
        %dma_wait3A_352 = arith.constant 0 : i32
        %dma_wait3A_353 = tpu.memref_slice %arg7[%dma_wait3A_351, %dma_wait3A_352] : memref<100000x128xf32, #tpu.memory_space<hbm>> -> memref<100000x128xf32, #tpu.memory_space<hbm>>
        tpu.wait_indirect_dma semaphore(%arg22 : memref<!tpu.dma_semaphore, #tpu.memory_space<semaphore_mem>>) src(%dma_wait3A_347 : memref<128x128xf32, #tpu.memory_space<vmem>>) dst(%dma_wait3A_353 : memref<100000x128xf32, #tpu.memory_space<hbm>>)
      } else {
      }
    } else {
    }
    %gt3A_308 = arith.constant 0 : i32
    %gt3A_309 = arith.cmpi sgt, %select_n3A_274, %gt3A_308 : i32
    %convert_element_type3A_310 = arith.extui %gt3A_309 : i1 to i32
    %cond3A_311 = arith.constant 0 : i32
    %cond3A_312 = arith.cmpi ne, %convert_element_type3A_310, %cond3A_311 : i32
    scf.if %cond3A_312 {
      %sub3A_330 = arith.constant 1 : i32
      %sub3A_331 = arith.subi %select_n3A_274, %sub3A_330 : i32
      %rem3A_332 = arith.constant 2 : i32
      %rem3A_333 = arith.remsi %sub3A_331, %rem3A_332 : i32
      %eq3A = arith.constant 0 : i32
      %eq3A_334 = arith.cmpi eq, %rem3A_333, %eq3A : i32
      %convert_element_type3A_335 = arith.extui %eq3A_334 : i1 to i32
      %cond3A_336 = arith.constant 0 : i32
      %cond3A_337 = arith.cmpi ne, %convert_element_type3A_335, %cond3A_336 : i32
      scf.if %cond3A_337 {
        %dma_wait3A_345 = arith.constant 0 : i32
        %dma_wait3A_346 = arith.constant 0 : i32
        %dma_wait3A_347 = tpu.memref_slice %arg17[%dma_wait3A_345, %dma_wait3A_346] : memref<256x128xf32, #tpu.memory_space<vmem>> -> memref<128x128xf32, #tpu.memory_space<vmem>>
        %dma_wait3A_348 = arith.constant 0 : i32
        %dma_wait3A_349 = tpu.memref_slice %arg14[%sub3A_331, %dma_wait3A_348] : memref<26x128xi32, #tpu.memory_space<vmem>> -> memref<1x128xi32, #tpu.memory_space<vmem>>
        %dma_wait3A_350 = tpu.memref_squeeze %dma_wait3A_349 : memref<1x128xi32, #tpu.memory_space<vmem>> -> memref<128xi32, #tpu.memory_space<vmem>>
        %dma_wait3A_351 = arith.constant 0 : i32
        %dma_wait3A_352 = arith.constant 0 : i32
        %dma_wait3A_353 = tpu.memref_slice %arg7[%dma_wait3A_351, %dma_wait3A_352] : memref<100000x128xf32, #tpu.memory_space<hbm>> -> memref<100000x128xf32, #tpu.memory_space<hbm>>
        tpu.wait_indirect_dma semaphore(%arg21 : memref<!tpu.dma_semaphore, #tpu.memory_space<semaphore_mem>>) src(%dma_wait3A_347 : memref<128x128xf32, #tpu.memory_space<vmem>>) dst(%dma_wait3A_353 : memref<100000x128xf32, #tpu.memory_space<hbm>>)
      } else {
      }
      %rem3A_338 = arith.constant 2 : i32
      %rem3A_339 = arith.remsi %sub3A_331, %rem3A_338 : i32
      %eq3A_340 = arith.constant 1 : i32
      %eq3A_341 = arith.cmpi eq, %rem3A_339, %eq3A_340 : i32
      %convert_element_type3A_342 = arith.extui %eq3A_341 : i1 to i32
      %cond3A_343 = arith.constant 0 : i32
      %cond3A_344 = arith.cmpi ne, %convert_element_type3A_342, %cond3A_343 : i32
      scf.if %cond3A_344 {
        %dma_wait3A_345 = arith.constant 0 : i32
        %dma_wait3A_346 = arith.constant 0 : i32
        %dma_wait3A_347 = tpu.memref_slice %arg18[%dma_wait3A_345, %dma_wait3A_346] : memref<256x128xf32, #tpu.memory_space<vmem>> -> memref<128x128xf32, #tpu.memory_space<vmem>>
        %dma_wait3A_348 = arith.constant 0 : i32
        %dma_wait3A_349 = tpu.memref_slice %arg14[%sub3A_331, %dma_wait3A_348] : memref<26x128xi32, #tpu.memory_space<vmem>> -> memref<1x128xi32, #tpu.memory_space<vmem>>
        %dma_wait3A_350 = tpu.memref_squeeze %dma_wait3A_349 : memref<1x128xi32, #tpu.memory_space<vmem>> -> memref<128xi32, #tpu.memory_space<vmem>>
        %dma_wait3A_351 = arith.constant 0 : i32
        %dma_wait3A_352 = arith.constant 0 : i32
        %dma_wait3A_353 = tpu.memref_slice %arg7[%dma_wait3A_351, %dma_wait3A_352] : memref<100000x128xf32, #tpu.memory_space<hbm>> -> memref<100000x128xf32, #tpu.memory_space<hbm>>
        tpu.wait_indirect_dma semaphore(%arg22 : memref<!tpu.dma_semaphore, #tpu.memory_space<semaphore_mem>>) src(%dma_wait3A_347 : memref<128x128xf32, #tpu.memory_space<vmem>>) dst(%dma_wait3A_353 : memref<100000x128xf32, #tpu.memory_space<hbm>>)
      } else {
      }
    } else {
    }
    %dma_start3A_313 = arith.constant 0 : i32
    %dma_start3A_314 = tpu.memref_slice %arg16[%dma_start3A_313] : memref<3136xf32, #tpu.memory_space<vmem>> -> memref<3120xf32, #tpu.memory_space<vmem>>
    %dma_start3A_315 = tpu.memref_slice %arg8[%mul3A_10] : memref<100000xf32, #tpu.memory_space<hbm>> -> memref<3120xf32, #tpu.memory_space<hbm>>
    %dma_start3A_316 = tpu.memref_slice %arg8[%mul3A_10] : memref<100000xf32, #tpu.memory_space<hbm>> -> memref<3120xf32, #tpu.memory_space<hbm>>
    %dma_start3A_317 = arith.constant 0 : i32
    %dma_start3A_318 = tpu.memref_slice %arg16[%dma_start3A_317] : memref<3136xf32, #tpu.memory_space<vmem>> -> memref<3120xf32, #tpu.memory_space<vmem>>
    tpu.enqueue_dma source(%dma_start3A_318 : memref<3120xf32, #tpu.memory_space<vmem>>) target(%dma_start3A_316 : memref<3120xf32, #tpu.memory_space<hbm>>) target_semaphore(%arg21 : memref<!tpu.dma_semaphore, #tpu.memory_space<semaphore_mem>>)
    %dma_wait3A_319 = arith.constant 0 : i32
    %dma_wait3A_320 = tpu.memref_slice %arg16[%dma_wait3A_319] : memref<3136xf32, #tpu.memory_space<vmem>> -> memref<3120xf32, #tpu.memory_space<vmem>>
    %dma_wait3A_321 = tpu.memref_slice %arg8[%mul3A_10] : memref<100000xf32, #tpu.memory_space<hbm>> -> memref<3120xf32, #tpu.memory_space<hbm>>
    %dma_wait3A_322 = tpu.memref_slice %arg8[%mul3A_10] : memref<100000xf32, #tpu.memory_space<hbm>> -> memref<3120xf32, #tpu.memory_space<hbm>>
    %dma_wait3A_323 = arith.constant 0 : i32
    %dma_wait3A_324 = tpu.memref_slice %arg16[%dma_wait3A_323] : memref<3136xf32, #tpu.memory_space<vmem>> -> memref<3120xf32, #tpu.memory_space<vmem>>
    tpu.wait_dma2 semaphore(%arg21 : memref<!tpu.dma_semaphore, #tpu.memory_space<semaphore_mem>>) src(%dma_wait3A_324 : memref<3120xf32, #tpu.memory_space<vmem>>) dst(%dma_wait3A_322 : memref<3120xf32, #tpu.memory_space<hbm>>)
    %gt3A_325 = arith.constant 195 : i32
    %gt3A_326 = arith.cmpi sgt, %add3A_8, %gt3A_325 : i32
    %convert_element_type3A_327 = arith.extui %gt3A_326 : i1 to i32
    %cond3A_328 = arith.constant 0 : i32
    %cond3A_329 = arith.cmpi ne, %convert_element_type3A_327, %cond3A_328 : i32
    scf.if %cond3A_329 {
      %add3A_330 = arith.constant 3120 : i32
      %add3A_331 = arith.addi %mul3A_10, %add3A_330 : i32
      %dma_start3A_332 = arith.constant 3120 : i32
      %dma_start3A_333 = tpu.memref_slice %arg16[%dma_start3A_332] : memref<3136xf32, #tpu.memory_space<vmem>> -> memref<16xf32, #tpu.memory_space<vmem>>
      %dma_start3A_334 = tpu.memref_slice %arg8[%add3A_331] : memref<100000xf32, #tpu.memory_space<hbm>> -> memref<16xf32, #tpu.memory_space<hbm>>
      %dma_start3A_335 = tpu.memref_slice %arg8[%add3A_331] : memref<100000xf32, #tpu.memory_space<hbm>> -> memref<16xf32, #tpu.memory_space<hbm>>
      %dma_start3A_336 = arith.constant 3120 : i32
      %dma_start3A_337 = tpu.memref_slice %arg16[%dma_start3A_336] : memref<3136xf32, #tpu.memory_space<vmem>> -> memref<16xf32, #tpu.memory_space<vmem>>
      tpu.enqueue_dma source(%dma_start3A_337 : memref<16xf32, #tpu.memory_space<vmem>>) target(%dma_start3A_335 : memref<16xf32, #tpu.memory_space<hbm>>) target_semaphore(%arg22 : memref<!tpu.dma_semaphore, #tpu.memory_space<semaphore_mem>>)
      %dma_wait3A_338 = arith.constant 3120 : i32
      %dma_wait3A_339 = tpu.memref_slice %arg16[%dma_wait3A_338] : memref<3136xf32, #tpu.memory_space<vmem>> -> memref<16xf32, #tpu.memory_space<vmem>>
      %dma_wait3A_340 = tpu.memref_slice %arg8[%add3A_331] : memref<100000xf32, #tpu.memory_space<hbm>> -> memref<16xf32, #tpu.memory_space<hbm>>
      %dma_wait3A_341 = tpu.memref_slice %arg8[%add3A_331] : memref<100000xf32, #tpu.memory_space<hbm>> -> memref<16xf32, #tpu.memory_space<hbm>>
      %dma_wait3A_342 = arith.constant 3120 : i32
      %dma_wait3A_343 = tpu.memref_slice %arg16[%dma_wait3A_342] : memref<3136xf32, #tpu.memory_space<vmem>> -> memref<16xf32, #tpu.memory_space<vmem>>
      tpu.wait_dma2 semaphore(%arg22 : memref<!tpu.dma_semaphore, #tpu.memory_space<semaphore_mem>>) src(%dma_wait3A_343 : memref<16xf32, #tpu.memory_space<vmem>>) dst(%dma_wait3A_341 : memref<16xf32, #tpu.memory_space<hbm>>)
    } else {
    }
    return
  }
}

</mosaic_0001>

<sc_bundles>
// kernel: kernel.3.cloned.1.call-start
scs
__scs_entry_jumppad:
0x0: {  	(pc) =	sbr.rel $0x88, $3  }
0x1: {  	(tag) =	ssettag $0x0;
	lr =	simm.s32 $0x1  }
0x2: {  	[smem:$0x3F9C] =	sst lr;
	_ =	strace $0xD0000000  }
0x3: {  	_ = 	snop  }
0x4: {  	_ = 	snop  }
0x5: {  	_ = 	snop  }
0x6: {  	_ = 	snop  }
0x7: {  	_ = 	snop  }
__scs_overlays_trampoline_lowered:
0x8: {  	[smem:$0x3FAB] =	sst s0  }
0x9: {  	[smem:$0x3FAC] =	sst s1  }
0xa: {  	[smem:$0x3FAD] =	sst s2  }
0xb: {  	[smem:$0x3FAE] =	sst s3  }
0xc: {  	[smem:$0x3FAF] =	sst s4  }
0xd: {  	[smem:$0x3FB0] =	sst s5  }
0xe: {  	[smem:$0x3FB1] =	sst s6  }
0xf: {  	[smem:$0x3FB2] =	sst s7  }
0x10: {  	[smem:$0x3FB3] =	sst s8  }
0x11: {  	[smem:$0x3FB4] =	sst s9;
	s0 =	simm.s32 @!p0 $0x0  }
0x12: {  	s1 =	sld [smem:$0x3F9A];
	s0 =	simm.s32 @p0 $0x1  }
0x13: {  	[smem:$0x3FB5] =	sst s0;
	s0 =	simm.s32 @!p1 $0x0  }
0x14: {  	s2 =	sld [smem:$0x3F99];
	s0 =	simm.s32 @p1 $0x1  }
0x15: {  	[smem:$0x3FB6] =	sst s0;
	s0 =	simm.s32 @!p2 $0x0  }
0x16: {  	s3 =	sld [smem:$0x3FDB];
	s0 =	simm.s32 @p2 $0x1  }
0x17: {  	s4 =	simm.s32 $0x1BF5;
	[smem:$0x3FB8] =	sst s0  }
0x18: {  	s0 =	sld [smem:$0x3F9B];
	_ =	swait.ge [sflag:s4], $0x0  }
0x19: {  	s7 =	sld [smem:$0x3F9C]  }
0x1a: {  	s8 =	sadd.s32 $0xFFFFE003, lr  }
0x1b: {  	s9 =	sadd.s32 $0xFFFFFEF7, lr;
	s5 =	simm.s32 $0xFFFFFFFF;
	p2 =	slt.u32 s8, $0xFFFFF086  }
0x1c: {  	p1 =	slt.u32 s9, $0xF7A;
	s5 =	simm.s32 @!p2 $0x0  }
0x1d: {  	s5 =	simm.s32 @p1 $0x1;
	p0 =	seq.s32 s7, s2  }
0x1e: {  	s7 =	smul.u32 @!p0 $0xF7A, s2;
	p2 =	seq.s32 @!p0 s5, $0x0  }
0x1f: {  	s9 =	smul.u32 $0xF7A, s1;
	s8 =	simm.s32 @!p0 $0x1BF5;
	p2 =	por !p2, p0  }
0x20: {  	[sflag:s8] =	ssyncset.s32 @!p0 $0xFFFFF086;
	s6 =	sadd.s32 @!p0 s3, s7;
	s7 =	simm.s32 @!p0 $0x108  }
0x21: {  	s3 =	sadd.s32 s3, s9;
	s6 =	sadd.s32 @!p0 $0x88, s6;
	s7 =	simm.s32 @p2 $0x1082  }
0x22: {  	[simem:s7], [sflag:s8] =	dma.local @!p0 [hbm:s6], $0xF7A  }
0x23: {  	s9 =	sor.u32 $0xD0000000, s2;
	s6 =	simm.s32 $0x108;
	_ =	swait.ge @!p0 [sflag:s8], $0x0  }
0x24: {  	s3 =	sadd.s32 $0x88, s3;
	s6 =	simm.s32 @!p1 $0x1082;
	[sflag:s4] =	ssyncset.s32 $0xFFFFF086  }
0x25: {  	[simem:s6], [sflag:s4] =	dma.local [hbm:s3], $0xF7A  }
0x26: {  	[smem:$0x3F9C] =	sst s1;
	(tag) =	ssettag s2;
	_ =	strace s9  }
0x27: {  	s1 =	sld [smem:$0x3FAC]  }
0x28: {  	s2 =	sld [smem:$0x3FAD]  }
0x29: {  	s4 =	sld [smem:$0x3FAF]  }
0x2a: {  	p0 =	seq.s32 s5, $0x0;
	s5 =	sld [smem:$0x3FB0]  }
0x2b: {  	s6 =	sld [smem:$0x3FB1]  }
0x2c: {  	s7 =	sld [smem:$0x3FB2]  }
0x2d: {  	s3 =	simm.s32 $0x108;
	s8 =	sld [smem:$0x3FB3]  }
0x2e: {  	s3 =	simm.s32 @!p0 $0x1082;
	s9 =	sld [smem:$0x3FB4]  }
0x2f: {  	lr =	sadd.s32 s0, s3;
	s0 =	sld [smem:$0x3FAB]  }
0x30: {  	s3 =	sld [smem:$0x3FAE]  }
0x31: {  	[smem:$0x3FB7] =	sst s10  }
0x32: {  	s10 =	sld [smem:$0x3FB5];
	_ =	sdelay $0x3  }
0x33: {  	p0 =	seq.s32 s10, $0x1;
	s10 =	sld [smem:$0x3FB7];
	_ =	sdelay $0x3  }
0x34: {  	[smem:$0x3FB7] =	sst s10  }
0x35: {  	s10 =	sld [smem:$0x3FB6];
	_ =	sdelay $0x3  }
0x36: {  	p1 =	seq.s32 s10, $0x1;
	s10 =	sld [smem:$0x3FB7];
	_ =	sdelay $0x3  }
0x37: {  	[smem:$0x3FB7] =	sst s10  }
0x38: {  	s10 =	sld [smem:$0x3FB8]  }
0x39: {  	_ = 	snop;
	(pc) =	sbr.ind lr, $3  }
0x3a: {  	_ = 	snop  }
0x3b: {  	_ = 	snop  }
0x3c: {  	p2 =	seq.s32 s10, $0x1;
	s10 =	sld [smem:$0x3FB7]  }
0x3d: {  	_ =	shalt  }
0x3e: {  	_ =	shalt  }
0x3f: {  	_ =	shalt  }
0x40: {  	_ =	shalt  }
0x41: {  	_ =	shalt  }
0x42: {  	_ =	shalt  }
0x43: {  	_ =	shalt  }
0x44: {  	_ =	shalt  }
0x45: {  	_ =	shalt  }
0x46: {  	_ =	shalt  }
0x47: {  	_ =	shalt  }
0x48: {  	_ =	shalt  }
0x49: {  	_ =	shalt  }
0x4a: {  	_ =	shalt  }
0x4b: {  	_ =	shalt  }
0x4c: {  	_ =	shalt  }
0x4d: {  	_ =	shalt  }
0x4e: {  	_ =	shalt  }
0x4f: {  	_ =	shalt  }
0x50: {  	_ =	shalt  }
0x51: {  	_ =	shalt  }
0x52: {  	_ =	shalt  }
0x53: {  	_ =	shalt  }
0x54: {  	_ =	shalt  }
0x55: {  	_ =	shalt  }
0x56: {  	_ =	shalt  }
0x57: {  	_ =	shalt  }
0x58: {  	_ =	shalt  }
0x59: {  	_ =	shalt  }
0x5a: {  	_ =	shalt  }
0x5b: {  	_ =	shalt  }
0x5c: {  	_ =	shalt  }
0x5d: {  	_ =	shalt  }
0x5e: {  	_ =	shalt  }
0x5f: {  	_ =	shalt  }
0x60: {  	_ =	shalt  }
0x61: {  	_ =	shalt  }
0x62: {  	_ =	shalt  }
0x63: {  	_ =	shalt  }
0x64: {  	_ =	shalt  }
0x65: {  	_ =	shalt  }
0x66: {  	_ =	shalt  }
0x67: {  	_ =	shalt  }
0x68: {  	_ =	shalt  }
0x69: {  	_ =	shalt  }
0x6a: {  	_ =	shalt  }
0x6b: {  	_ =	shalt  }
0x6c: {  	_ =	shalt  }
0x6d: {  	_ =	shalt  }
0x6e: {  	_ =	shalt  }
0x6f: {  	_ =	shalt  }
0x70: {  	_ =	shalt  }
0x71: {  	_ =	shalt  }
0x72: {  	_ =	shalt  }
0x73: {  	_ =	shalt  }
0x74: {  	_ =	shalt  }
0x75: {  	_ =	shalt  }
0x76: {  	_ =	shalt  }
0x77: {  	_ =	shalt  }
0x78: {  	_ =	shalt  }
0x79: {  	_ =	shalt  }
0x7a: {  	_ =	shalt  }
0x7b: {  	_ =	shalt  }
0x7c: {  	_ =	shalt  }
0x7d: {  	_ =	shalt  }
0x7e: {  	_ =	shalt  }
0x7f: {  	_ =	shalt  }
0x80: {  	_ =	shalt  }
0x81: {  	_ =	shalt  }
0x82: {  	_ =	shalt  }
0x83: {  	_ =	shalt  }
0x84: {  	_ =	shalt  }
0x85: {  	_ =	shalt  }
0x86: {  	_ =	shalt  }
0x87: {  	_ =	shalt  }
.Lfunc_end0:
.L_simem_size_0:
called_computation_lowered:
.L_overlay_start_0:
0x88: {  	s2 =	sld [smem:$0x3FD9]  }
0x89: {  	s3 =	sld [smem:$0x3FFE];
	_ =	sdelay $0x1  }
0x8a: {  	s1 =	srdreg.scid  }
0x8b: {  	s0 =	sand.u32 $0x1, s1  }
0x8c: {  	s15 =	sshll.u32 s0, $0xA;
	s2 =	sadd.s32 s3, s2  }
0x8d: {  	s2 =	sadd.s32 s2, s15  }
0x8e: {  	[smem:$0x3FC3] =	sst s2  }
0x8f: {  	_ = 	snop  }
0x90: {  	s2 =	sld [smem:$0x3FC9]  }
0x91: {  	s16 =	sld [smem:$0x3FC8]  }
0x92: {  	s4 =	sld [smem:$0x3FD0]  }
0x93: {  	s5 =	sld [smem:$0x3FC7]  }
0x94: {  	s6 =	sld [smem:$0x3FC6]  }
0x95: {  	s8 =	simm.s32 $0xA;
	s9 =	simm.s32 $0x10;
	s7 =	sld [smem:$0x3FC5]  }
0x96: {  	[smem:s9], [sflag:s8] =	dma.local [hbm:s4], $0x1  }
0x97: {  	_ =	swait.eq [sflag:s8], $0x1  }
0x98: {  	s17 =	sld [smem:$0x10];
	[sflag:s8] =	ssyncset.done $0x0  }
0x99: {  	s18 =	sld [smem:$0x11];
	[sflag:s8] =	ssyncadd.s32 $0xFFFFFFFF  }
0x9a: {  	s19 =	sld [smem:$0x12];
	(tm) =	ssettm $0x1  }
0x9b: {  	s10 =	sld [smem:$0x3FFB];
	_ =	sdelay $0x3  }
0x9c: {  	_ =	strace s10  }
0x9d: {  	s10 =	sld [smem:$0x3FFC];
	_ =	sdelay $0x3  }
0x9e: {  	_ =	strace s10  }
0x9f: {  	s10 =	sld [smem:$0x3FFD];
	_ =	sdelay $0x3  }
0xa0: {  	_ =	strace s10  }
0xa1: {  	_ =	strace $0x8FFFFFFF  }
0xa2: {  	s20 =	sld [smem:$0x3FDB];
	_ =	sdelay $0x1  }
0xa3: {  	s11 =	simm.s32 $_scs_section_size  }
0xa4: {  	s12 =	simm.s32 $_size__tile_overlayer_lowered;
	s13 =	simm.s32 $_tile_overlayer_lowered  }
0xa5: {  	s23 =	simm.s32 $0x1BFF;
	s22 =	sshll.u32 s13, $0x1;
	s10 =	sadd.s32 s11, s20  }
0xa6: {  	s14 =	simm.s32 $0x0;
	s21 =	sshll.u32 s12, $0x1;
	s12 =	sadd.s32 s22, s10  }
0xa7: {  	[timem:s14], [sflag:s23] =	dma.local [hbm:s12], s21  }
0xa8: {  	_ =	swait.ge [sflag:s23], s21  }
0xa9: {  	s11 =	ssub.s32 $0x0, s21;
	[sflag:s23] =	ssyncset.done $0x0  }
0xaa: {  	[sflag:s23] =	ssyncadd.s32 s11;
	_ =	sdelay $0x1  }
0xab: {  	s24 =	simm.s32 $0x1B8B  }
0xac: {  	_ =	swait.ge [sflag:s24], $0x1  }
0xad: {  	[sflag:s24] =	ssyncset.done $0x0  }
0xae: {  	s25 =	simm.s32 $0x1B8E;
	[sflag:s24] =	ssyncadd.s32 $0xFFFFFFFF  }
0xaf: {  	s26 =	simm.s32 $execute0_lowered;
	[smem:$0x3FD2] =	sst s25  }
0xb0: {  	s11 =	sshll.u32 s26, $0x1;
	_ =	strace $0x80000046;
	[dreg:$0x1] =	wrdreg $0xFFFFFFFF  }
0xb1: {  	s28 =	simm.s32 $_size_execute0_lowered;
	s10 =	sadd.s32 s10, s11;
	[dreg:$0x0] =	wrdreg $0x0  }
0xb2: {  	s11 =	sshll.u32 s28, $0x1;
	[dreg:$0x2] =	wrdreg s10  }
0xb3: {  	[dreg:$0x3] =	wrdreg s11  }
0xb4: {  	[dreg:$0x4] =	wrdreg $0xC0  }
0xb5: {  	_ =	task [dreg:s14], $0x5FFFF  }
0xb6: {  	[dreg:$0x1] =	wrdreg $0xFFFFFFFF  }
0xb7: {  	[dreg:$0x0] =	wrdreg $0x60  }
0xb8: {  	[dreg:$0x2] =	wrdreg s2  }
0xb9: {  	[dreg:$0x3] =	wrdreg s16  }
0xba: {  	[dreg:$0x4] =	wrdreg s5  }
0xbb: {  	[dreg:$0x5] =	wrdreg s6  }
0xbc: {  	[dreg:$0x6] =	wrdreg s7  }
0xbd: {  	[dreg:$0x7] =	wrdreg s17  }
0xbe: {  	[dreg:$0x8] =	wrdreg s18  }
0xbf: {  	[dreg:$0x9] =	wrdreg s19  }
0xc0: {  	[dreg:$0xa] =	wrdreg $0x9  }
0xc1: {  	_ =	task.clear_ibuf [dreg:s14], $0xBFFFF;
	_ =	strace $0x90000046  }
0xc2: {  	s29 =	simm.s32 $0x9;
	_ =	strace $0x80000048  }
0xc3: {  	_ =	swait.ge [sflag:s29], $0x1  }
0xc4: {  	[sflag:s29] =	ssyncadd.s32 $0xFFFFFFFF  }
0xc5: {  	_ =	strace $0x90000048  }
0xc6: {  	_ =	sfence  }
0xc7: {  	s30 =	sld [smem:$0x0];
	_ =	sdelay $0x2  }
0xc8: {  	s31 =	sshll.u32 s1, $0xD;
	s1 =	sshrl.u32 s1, $0x2  }
0xc9: {  	s3 =	sand.u32 $0x4000, s31;
	s1 =	sadd.s32 s1, s30  }
0xca: {  	s0 =	sor.u32 s3, s0;
	s1 =	sshll.u32 s1, $0x11  }
0xcb: {  	s0 =	sor.u32 s1, s0  }
0xcc: {  	s0 =	sadd.s32 $0x8F2B, s0  }
0xcd: {  	[sflag:s0] =	ssyncadd.remote.s32 $0x1  }
0xce: {  	_ =	sfence.sel $0xFFFF  }
0xcf: {  	[dreg:$0x0] =	wrdreg $0xFFFFFFFF;
	(pc) =	sbr.abs _section_cstart, $3  }
0xd0: {  	[dreg:$0x1] =	wrdreg $0xFFFFFFFF  }
0xd1: {  	_ =	task.clear_ibuf [dreg:s14], $0x2FFFF;
	_ =	strace $0x9FFFFFFF  }
0xd2: {  	(tm) =	ssettm $0x7FFFFFFF  }
0xd3: {  	_ =	shalt  }
tec
execute0_lowered:
.L_overlay_start_1:
0x0: {  	(tag) =	ssettag $0x1  }
0x1: {  	s1 =	rddreg [dreg:$0x0]  }
0x2: {  	s0 =	rddreg [dreg:$0x1]  }
0x3: {  	s2 =	rddreg [dreg:$0x2]  }
0x4: {  	s3 =	srdreg.scid;
	s5 =	rddreg [dreg:$0x5]  }
0x5: {  	s17 =	stileid.u32;
	s8 =	rddreg [dreg:$0x6]  }
0x6: {  	s10 =	rddreg [dreg:$0x7];
	s3 =	sand.u32 $0x1, s3;
	s4 =	sshll.u32 s17, $0x1  }
0x7: {  	s20 =	simm.s32 $0xC4;
	p0 =	slt.u32 s17, $0x5;
	s4 =	sor.u32 s3, s4  }
0x8: {  	s9 =	ssub.s32 $0x2, s3;
	s20 =	simm.s32 @!p0 $0xC3;
	s6 =	smul.u32 $0xC3, s4  }
0x9: {  	s7 =	smin.u32 s4, $0xA;
	s15 =	sshll.u32 s4, $0x9;
	s4 =	sshll.u32 s4, $0xD  }
0xa: {  	s12 =	sshrl.u32 s9, $0x1;
	s4 =	sadd.s32 s10, s4;
	[dreg:$0x9] =	wrdreg s15  }
0xb: {  	s9 =	ssub.s32 s9, s12;
	s16 =	sor.u32 $0x80, s15;
	[dreg:$0xb] =	wrdreg s4  }
0xc: {  	s18 =	sor.u32 $0x100, s15;
	s19 =	sor.u32 $0x180, s15;
	[dreg:$0xa] =	wrdreg s16  }
0xd: {  	s15 =	simm.s32 $0x0;
	s6 =	sadd.s32 s7, s6;
	[dreg:$0xc] =	wrdreg s18  }
0xe: {  	s24 =	sshll.u32 s16, $0x4;
	s25 =	sshll.u32 s18, $0x4;
	[dreg:$0xd] =	wrdreg s19  }
0xf: {  	s26 =	sshll.u32 s19, $0x4;
	[smem:$0x7FF] =	sst s15;
	s19 =	smax.u32 s9, $0x1  }
0x10: {  	s11 =	sshll.u32 s6, $0x4;
	s13 =	sshll.u32 s6, $0x1;
	s4 =	sadd.s32 s10, s24  }
0x11: {  	s28 =	sadd.s32 s10, s25;
	s29 =	sadd.s32 s10, s26;
	[dreg:$0xe] =	wrdreg s4  }
0x12: {  	s18 =	sshll.u32 s6, $0x8;
	s23 =	sadd.s32 $0xC30, s11;
	[dreg:$0xf] =	wrdreg s28  }
0x13: {  	[dreg:$0x10] =	wrdreg s29;
	s10 =	sadd.s32 s8, s13;
	s4 =	simm.s32 $0x4  }
0x14: {  	s21 =	sadd.s32 s1, s18;
	s22 =	sadd.s32 $0xA000, s18;
	s6 =	sadd.s32 $0x1000, s18  }
0x15: {  	s29 =	sshll.u32 s20, $0x4;
	v0 =	vmov s11;
	s11 =	simm.s32 $0x8D00;
	s14 =	smin.u32 s23, $0x18690  }
0x16: {  	[dreg:$0x13] =	wrdreg s10;
	s12 =	sshrl.u32 s23, $0x3;
	s14 =	sshrl.u32 s14, $0x3  }
0x17: {  	s4 =	simm.s32 @!p0 $0x3;
	s23 =	sand.u32 $0x1FFFFF00, s22;
	s30 =	sadd.s32 s0, s14  }
0x18: {  	s24 =	sadd.s32 s1, s6;
	s0 =	sadd.s32 s0, s13;
	[dreg:$0x11] =	wrdreg s30  }
0x19: {  	s6 =	sadd.s32 s5, s6;
	[dreg:$0x12] =	wrdreg s0;
	s0 =	sadd.s32 s8, s12  }
0x1a: {  	p0 =	sgt.u32 s17, $0x4;
	s10 =	simm.s32 $0x5;
	[dreg:$0x14] =	wrdreg s0  }
0x1b: {  	s13 =	smul.u32 $0x186, s17;
	_ =	strace $0x80000047;
	[dreg:$0x15] =	wrdreg s4  }
0x1c: {  	s14 =	smul.u32 $0xC3, s3;
	s3 =	sadd.s32 s5, s18;
	[dreg:$0x16] =	wrdreg s19  }
0x1d: {  	s17 =	simm.s32 $0xC300;
	s18 =	simm.s32 $0x14300;
	[dreg:$0x18] =	wrdreg s3  }
0x1e: {  	s30 =	sadd.s32 $0xFFFFFFFF, s29;
	s8 =	sadd.s32 $0x2000, s21;
	[dreg:$0x19] =	wrdreg s24  }
0x1f: {  	s12 =	simm.s32 $0x4000;
	s16 =	sadd.s32 s13, s7;
	[dreg:$0x1a] =	wrdreg s6  }
0x20: {  	s13 =	simm.s32 $0xB680;
	s0 =	sadd.s32 s14, s16;
	[dreg:$0x17] =	wrdreg s21  }
0x21: {  	s3 =	sadd.s32 $0x1000, s23;
	s4 =	sadd.s32 s5, s22;
	[dreg:$0x1f] =	wrdreg s8  }
0x22: {  	s14 =	simm.s32 $0x1;
	s21 =	simm.s32 $0x80;
	s19 =	simm.s32 $0x2  }
0x23: {  	s8 =	simm.s32 $0x3;
	s22 =	simm.s32 $0x8000;
	s24 =	simm.s32 $0x9A00  }
.Ltmp0:
0x24: {  	[dreg:$0x1b] =	wrdreg s4;
	s25 =	sadd.s32 s1, s3;
	(pc) =	sbr.rel .LBB2_1-.Ltmp0, $4  }
0x25: {  	s26 =	sshll.u32 s0, $0x8;
	s3 =	sadd.s32 s5, s3;
	[dreg:$0x1c] =	wrdreg s25  }
0x26: {  	s28 =	sshll.u32 s0, $0xB;
	s4 =	simm.s32 $0x4;
	[dreg:$0x1d] =	wrdreg s3  }
0x27: {  	v3 =	vimm.s32 $0xFFFFFFFF;
	v4 =	vlaneseq.u32;
	s31 =	sadd.s32 s26, s5;
	s6 =	sadd.s32 s26, s1;
	s16 =	sadd.s32 $0x60000, s28  }
0x28: {  	v5 =	vimm.s32 $0x0;
	v1 =	vmov s29;
	v2 =	vmov s30;
	s3 =	sshll.u32 s0, $0x4;
	s25 =	simm.s32 $0x0;
	[dreg:$0x1e] =	wrdreg s16  }
.LBB2_33:
0x29: {  	s0 =	simm.s32 $0x4;
	s7 =	simm.s32 $0x3  }
.LBB2_34:
0x2a: {  	_ =	swait.ge [sflag:s7], $0x4000  }
0x2b: {  	[sflag:s7] =	ssyncset.done $0x0  }
0x2c: {  	[sflag:s7] =	ssyncadd.s32 $0xFFFFC000  }
.LBB2_35:
0x2d: {  	_ =	swait.ge [sflag:s0], $0x4000  }
0x2e: {  	[sflag:s0] =	ssyncset.done $0x0  }
0x2f: {  	[sflag:s0] =	ssyncadd.s32 $0xFFFFC000  }
.LBB2_36:
0x30: {  	s0 =	rddreg [dreg:$0x13]  }
0x31: {  	[hbm4b:s0+s15] =	stream.linear.scatter [tilespmem:s13], [sflag:$0x3], $0xC30, $0x38;
	[tilespmem:$0x1C300] =	vst v63  }
0x32: {  	_ =	swait.ge [sflag:s8], $0xC30  }
0x33: {  	s7 =	simm.s32 @!p0 $0xC2B0;
	[sflag:s8] =	ssyncset.done $0x0  }
0x34: {  	s0 =	simm.s32 @!p0 $0x0;
	s9 =	rddreg [dreg:$0x14];
	[sflag:s8] =	ssyncadd.s32 $0xFFFFF3D0  }
0x35: {  	[hbm4b:s9+s0] =	stream.linear.scatter @!p0 [tilespmem:s7], [sflag:$0x4], $0x10, $0x38;
	[tilespmem:$0x1C300] =	vst v63  }
0x36: {  	s0 =	simm.s32 @!p0 $0x4  }
0x37: {  	_ =	swait.ge @!p0 [sflag:s0], $0x10  }
0x38: {  	s25 =	sadd.s32 $0x1, s25;
	s30 =	rddreg [dreg:$0x16]  }
0x39: {  	p1 =	sne.s32 s25, s30  }
.Ltmp1:
0x3a: {  	_ = 	snop;
	(pc) =	sbr.rel @!p1 .LBB2_37-.Ltmp1, $3  }
0x3b: {  	_ =	sdelay $0x1  }
0x3c: {  	[sflag:s0] =	ssyncset.done @!p0 $0x0  }
0x3d: {  	[sflag:s0] =	ssyncadd.s32 @!p0 $0xFFFFFFF0  }
.LBB2_1:
0x3e: {  	s0 =	rddreg [dreg:$0x4]  }
0x3f: {  	[tilespmem:s15], [sflag:$0x1] =	stream.linear.gather [hbm4b:s0+s15], $0x4000, $0x38;
	[tilespmem:$0x1C300] =	vst v63  }
0x40: {  	s23 =	rddreg [dreg:$0x3]  }
0x41: {  	[tilespmem:s12], [sflag:$0x5] =	stream.linear.gather [hbm4b:s23+s15], $0x4000, $0x38;
	[tilespmem:$0x1C300] =	vst v63  }
0x42: {  	s26 =	rddreg [dreg:$0x12]  }
0x43: {  	[tilespmem:s13], [sflag:$0x5] =	stream.linear.gather [hbm4b:s26+s15], $0xC30, $0x38;
	[tilespmem:$0x1C300] =	vst v63  }
0x44: {  	s28 =	rddreg [dreg:$0x11];
	s7 =	simm.s32 $0xC2B0  }
0x45: {  	[tilespmem:s7], [sflag:$0x5] =	stream.linear.gather [hbm4b:s28+s15], $0x10, $0x38;
	[tilespmem:$0x1C300] =	vst v63  }
0x46: {  	_ =	swait.ge [sflag:s14], $0x4000  }
0x47: {  	[sflag:s14] =	ssyncset.done $0x0  }
0x48: {  	s29 =	rddreg [dreg:$0x9];
	[sflag:s14] =	ssyncadd.s32 $0xFFFFC000  }
0x49: {  	[tilespmem:s17], [sflag:$0x1] =	stream.indirect.gather [hbm4b:s1+s21], $0x80, s29, s21, $0xb8;
	[tilespmem:$0x1C300] =	vst v63  }
0x4a: {  	_ =	swait.ge [sflag:s14], $0x4000  }
0x4b: {  	[sflag:s14] =	ssyncset.done $0x0  }
0x4c: {  	s30 =	rddreg [dreg:$0xa];
	[sflag:s14] =	ssyncadd.s32 $0xFFFFC000  }
0x4d: {  	[tilespmem:s18], [sflag:$0x2] =	stream.indirect.gather [hbm4b:s1+s21], $0x80, s30, s21, $0xb8;
	[tilespmem:$0x1C300] =	vst v63  }
0x4e: {  	s7 =	rddreg [dreg:$0xb]  }
0x4f: {  	[hbm4b:s7+s15] =	stream.linear.scatter [tilespmem:s17], [sflag:$0x3], $0x4000, $0x38;
	[tilespmem:$0x1C300] =	vst v63  }
0x50: {  	_ =	swait.ge [sflag:s19], $0x4000  }
0x51: {  	[sflag:s19] =	ssyncset.done $0x0  }
0x52: {  	s9 =	rddreg [dreg:$0xe];
	[sflag:s19] =	ssyncadd.s32 $0xFFFFC000  }
0x53: {  	[hbm4b:s9+s15] =	stream.linear.scatter [tilespmem:s18], [sflag:$0x4], $0x4000, $0x38;
	[tilespmem:$0x1C300] =	vst v63  }
0x54: {  	_ =	swait.ge [sflag:s8], $0x4000  }
0x55: {  	[sflag:s8] =	ssyncset.done $0x0  }
0x56: {  	s23 =	rddreg [dreg:$0xc];
	[sflag:s8] =	ssyncadd.s32 $0xFFFFC000  }
0x57: {  	[tilespmem:s17], [sflag:$0x1] =	stream.indirect.gather [hbm4b:s1+s21], $0x80, s23, s21, $0xb8;
	[tilespmem:$0x1C300] =	vst v63  }
0x58: {  	_ =	swait.ge [sflag:s14], $0x4000  }
0x59: {  	[sflag:s14] =	ssyncset.done $0x0  }
0x5a: {  	[sflag:s14] =	ssyncadd.s32 $0xFFFFC000  }
0x5b: {  	_ =	swait.ge [sflag:s4], $0x4000  }
0x5c: {  	[sflag:s4] =	ssyncset.done $0x0  }
0x5d: {  	s26 =	rddreg [dreg:$0xd];
	[sflag:s4] =	ssyncadd.s32 $0xFFFFC000  }
0x5e: {  	[tilespmem:s18], [sflag:$0x2] =	stream.indirect.gather [hbm4b:s1+s21], $0x80, s26, s21, $0xb8;
	[tilespmem:$0x1C300] =	vst v63  }
0x5f: {  	s28 =	rddreg [dreg:$0xf]  }
0x60: {  	[hbm4b:s28+s15] =	stream.linear.scatter [tilespmem:s17], [sflag:$0x3], $0x4000, $0x38;
	[tilespmem:$0x1C300] =	vst v63  }
0x61: {  	_ =	swait.ge [sflag:s19], $0x4000  }
0x62: {  	[sflag:s19] =	ssyncset.done $0x0  }
0x63: {  	s29 =	rddreg [dreg:$0x10];
	[sflag:s19] =	ssyncadd.s32 $0xFFFFC000  }
0x64: {  	[hbm4b:s29+s15] =	stream.linear.scatter [tilespmem:s18], [sflag:$0x4], $0x4000, $0x38;
	[tilespmem:$0x1C300] =	vst v63  }
0x65: {  	_ =	swait.ge [sflag:s8], $0x4000  }
0x66: {  	[sflag:s8] =	ssyncset.done $0x0  }
0x67: {  	[sflag:s8] =	ssyncadd.s32 $0xFFFFC000  }
0x68: {  	_ =	swait.ge [sflag:s4], $0x4000  }
0x69: {  	[sflag:s4] =	ssyncset.done $0x0  }
0x6a: {  	s30 =	rddreg [dreg:$0x17];
	[sflag:s4] =	ssyncadd.s32 $0xFFFFC000  }
0x6b: {  	[tilespmem:s17], [sflag:$0x1] =	stream.linear.gather [hbm4b:s30+s15], $0x8000, $0x38;
	[tilespmem:$0x1C300] =	vst v63  }
0x6c: {  	_ =	swait.ge [sflag:s14], $0x8000  }
0x6d: {  	[sflag:s14] =	ssyncset.done $0x0  }
0x6e: {  	s7 =	rddreg [dreg:$0x19];
	[sflag:s14] =	ssyncadd.s32 $0xFFFF8000  }
0x6f: {  	[tilespmem:s18], [sflag:$0x2] =	stream.linear.gather [hbm4b:s7+s15], $0x8000, $0x38;
	[tilespmem:$0x1C300] =	vst v63  }
0x70: {  	s9 =	rddreg [dreg:$0x18]  }
0x71: {  	[hbm4b:s9+s15] =	stream.linear.scatter [tilespmem:s17], [sflag:$0x3], $0x8000, $0x38;
	[tilespmem:$0x1C300] =	vst v63  }
0x72: {  	_ =	swait.ge [sflag:s19], $0x8000  }
0x73: {  	[sflag:s19] =	ssyncset.done $0x0  }
0x74: {  	[sflag:s19] =	ssyncadd.s32 $0xFFFF8000  }
0x75: {  	_ =	swait.ge [sflag:s8], $0x8000  }
0x76: {  	[sflag:s8] =	ssyncset.done $0x0  }
0x77: {  	s23 =	rddreg [dreg:$0x1f];
	[sflag:s8] =	ssyncadd.s32 $0xFFFF8000  }
0x78: {  	[tilespmem:s17], [sflag:$0x1] =	stream.linear.gather [hbm4b:s23+s15], $0x8000, $0x38;
	[tilespmem:$0x1C300] =	vst v63  }
0x79: {  	s26 =	rddreg [dreg:$0x1a]  }
0x7a: {  	[hbm4b:s26+s15] =	stream.linear.scatter [tilespmem:s18], [sflag:$0x4], $0x8000, $0x38;
	[tilespmem:$0x1C300] =	vst v63  }
0x7b: {  	_ =	swait.ge [sflag:s14], $0x8000  }
0x7c: {  	[sflag:s14] =	ssyncset.done $0x0  }
0x7d: {  	[sflag:s14] =	ssyncadd.s32 $0xFFFF8000  }
0x7e: {  	_ =	swait.ge [sflag:s4], $0x8000  }
0x7f: {  	s28 =	sadd.s32 $0x0, s6;
	[sflag:s4] =	ssyncset.done $0x0  }
0x80: {  	s29 =	sadd.s32 $0x3000, s28;
	s23 =	sadd.s32 $0x0, s31;
	[sflag:s4] =	ssyncadd.s32 $0xFFFF8000  }
0x81: {  	[tilespmem:s18], [sflag:$0x2] =	stream.linear.gather [hbm4b:s29+s15], $0x8000, $0x38;
	[tilespmem:$0x1C300] =	vst v63  }
0x82: {  	s30 =	sadd.s32 $0x2000, s23  }
0x83: {  	[hbm4b:s30+s15] =	stream.linear.scatter [tilespmem:s17], [sflag:$0x3], $0x8000, $0x38;
	[tilespmem:$0x1C300] =	vst v63  }
0x84: {  	_ =	swait.ge [sflag:s19], $0x8000  }
0x85: {  	[sflag:s19] =	ssyncset.done $0x0  }
0x86: {  	[sflag:s19] =	ssyncadd.s32 $0xFFFF8000  }
0x87: {  	_ =	swait.ge [sflag:s8], $0x8000  }
0x88: {  	[sflag:s8] =	ssyncset.done $0x0  }
0x89: {  	s0 =	sadd.s32 $0x4000, s28;
	[sflag:s8] =	ssyncadd.s32 $0xFFFF8000  }
0x8a: {  	[tilespmem:s17], [sflag:$0x1] =	stream.linear.gather [hbm4b:s0+s15], $0x8000, $0x38;
	[tilespmem:$0x1C300] =	vst v63  }
0x8b: {  	s9 =	simm.s32 $0x2000;
	s0 =	sadd.s32 $0x3000, s23  }
.LBB2_2:
0x8c: {  	[hbm4b:s0+s15] =	stream.linear.scatter [tilespmem:s18], [sflag:$0x4], $0x8000, $0x38;
	[tilespmem:$0x1C300] =	vst v63  }
0x8d: {  	s0 =	smov.u32 s9  }
0x8e: {  	p1 =	sne.s32 s9, $0x6000;
	s9 =	sadd.s32 $0x2000, s9;
	_ =	swait.ge [sflag:s14], $0x8000  }
0x8f: {  	[sflag:s14] =	ssyncset.done $0x0  }
0x90: {  	[sflag:s14] =	ssyncadd.s32 $0xFFFF8000  }
0x91: {  	_ =	swait.ge [sflag:s4], $0x8000  }
0x92: {  	s7 =	sadd.s32 s0, s6;
	[sflag:s4] =	ssyncset.done $0x0  }
0x93: {  	s0 =	sadd.s32 s0, s31;
	s23 =	sadd.s32 $0x3000, s7;
	[sflag:s4] =	ssyncadd.s32 $0xFFFF8000  }
0x94: {  	[tilespmem:s18], [sflag:$0x2] =	stream.linear.gather [hbm4b:s23+s15], $0x8000, $0x38;
	[tilespmem:$0x1C300] =	vst v63  }
0x95: {  	s23 =	sadd.s32 $0x2000, s0  }
0x96: {  	[hbm4b:s23+s15] =	stream.linear.scatter [tilespmem:s17], [sflag:$0x3], $0x8000, $0x38;
	[tilespmem:$0x1C300] =	vst v63  }
0x97: {  	_ =	swait.ge [sflag:s19], $0x8000  }
0x98: {  	[sflag:s19] =	ssyncset.done $0x0  }
0x99: {  	[sflag:s19] =	ssyncadd.s32 $0xFFFF8000  }
.Ltmp2:
0x9a: {  	_ =	swait.ge [sflag:s8], $0x8000;
	(pc) =	sbr.rel @p1 .LBB2_2-.Ltmp2, $4  }
0x9b: {  	[sflag:s8] =	ssyncset.done $0x0  }
0x9c: {  	s7 =	sadd.s32 $0x4000, s7;
	[sflag:s8] =	ssyncadd.s32 $0xFFFF8000  }
0x9d: {  	[tilespmem:s17], [sflag:$0x1] =	stream.linear.gather [hbm4b:s7+s15], $0x8000, $0x38;
	[tilespmem:$0x1C300] =	vst v63  }
0x9e: {  	s0 =	sadd.s32 $0x3000, s0  }
0x9f: {  	[hbm4b:s0+s15] =	stream.linear.scatter [tilespmem:s18], [sflag:$0x4], $0x8000, $0x38;
	[tilespmem:$0x1C300] =	vst v63  }
0xa0: {  	_ =	swait.ge [sflag:s14], $0x8000  }
0xa1: {  	[sflag:s14] =	ssyncset.done $0x0  }
0xa2: {  	[sflag:s14] =	ssyncadd.s32 $0xFFFF8000  }
0xa3: {  	_ =	swait.ge [sflag:s4], $0x8000  }
0xa4: {  	[sflag:s4] =	ssyncset.done $0x0  }
0xa5: {  	s26 =	rddreg [dreg:$0x1c];
	[sflag:s4] =	ssyncadd.s32 $0xFFFF8000  }
0xa6: {  	[tilespmem:s18], [sflag:$0x2] =	stream.linear.gather [hbm4b:s26+s15], $0x8000, $0x38;
	[tilespmem:$0x1C300] =	vst v63  }
0xa7: {  	s28 =	rddreg [dreg:$0x1b]  }
0xa8: {  	[hbm4b:s28+s15] =	stream.linear.scatter [tilespmem:s17], [sflag:$0x3], $0x8000, $0x38;
	[tilespmem:$0x1C300] =	vst v63  }
0xa9: {  	_ =	swait.ge [sflag:s19], $0x8000  }
0xaa: {  	[sflag:s19] =	ssyncset.done $0x0  }
0xab: {  	[sflag:s19] =	ssyncadd.s32 $0xFFFF8000  }
0xac: {  	_ =	swait.ge [sflag:s8], $0x8000  }
0xad: {  	[sflag:s8] =	ssyncset.done $0x0  }
0xae: {  	s29 =	rddreg [dreg:$0x1d];
	[sflag:s8] =	ssyncadd.s32 $0xFFFF8000  }
0xaf: {  	[hbm4b:s29+s15] =	stream.linear.scatter [tilespmem:s18], [sflag:$0x4], $0x8000, $0x38;
	[tilespmem:$0x1C300] =	vst v63  }
0xb0: {  	_ =	swait.ge [sflag:s4], $0x8000  }
0xb1: {  	s30 =	rddreg [dreg:$0x15]  }
0xb2: {  	p2 =	sne.s32 s30, $0x1  }
.Ltmp3:
0xb3: {  	_ = 	snop;
	(pc) =	sbr.rel @!p2 .LBB2_6-.Ltmp3, $3  }
0xb4: {  	_ =	sdelay $0x1  }
0xb5: {  	s0 =	sshrl.u32 s16, $0x3;
	[sflag:s4] =	ssyncset.done $0x0  }
0xb6: {  	p1 =	por $0x0, $0x0;
	[sflag:s4] =	ssyncadd.s32 $0xFFFF8000;
	s7 =	sadd.s32 $0xFFFFFFFF, s30  }
0xb7: {  	s9 =	sadd.s32 s1, s0  }
0xb8: {  	[tilespmem:s17], [sflag:$0x1] =	stream.linear.gather [hbm4b:s9+s15], $0x800, $0x38;
	[tilespmem:$0x1C300] =	vst v63  }
0xb9: {  	p2 =	sne.s32 s7, $0x1;
	_ =	swait.ge [sflag:s14], $0x800  }
.Ltmp4:
0xba: {  	[sflag:s14] =	ssyncset.done $0x0;
	(pc) =	sbr.rel @!p2 .LBB2_6-.Ltmp4, $4  }
0xbb: {  	s30 =	sadd.s32 s5, s0;
	[sflag:s14] =	ssyncadd.s32 $0xFFFFF800  }
0xbc: {  	[hbm4b:s30+s15] =	stream.linear.scatter [tilespmem:s17], [sflag:$0x1], $0x800, $0x38;
	[tilespmem:$0x1C300] =	vst v63  }
0xbd: {  	s7 =	sadd.s32 $0xFFFFFFFF, s7;
	s9 =	sadd.s32 $0x800, s16;
	_ =	swait.ge [sflag:s14], $0x800  }
0xbe: {  	p1 =	por $0x1, $0x1;
	s0 =	sshrl.u32 s9, $0x3;
	[sflag:s14] =	ssyncset.done $0x0  }
.LBB2_5:
0xbf: {  	p2 =	sne.s32 s7, $0x1;
	s23 =	sadd.s32 s1, s0;
	[sflag:s14] =	ssyncadd.s32 $0xFFFFF800  }
0xc0: {  	[tilespmem:s17], [sflag:$0x1] =	stream.linear.gather [hbm4b:s23+s15], $0x800, $0x38;
	[tilespmem:$0x1C300] =	vst v63  }
0xc1: {  	s7 =	sadd.s32 $0xFFFFFFFF, s7;
	_ =	swait.ge [sflag:s14], $0x800  }
.Ltmp5:
0xc2: {  	[sflag:s14] =	ssyncset.done $0x0;
	(pc) =	sbr.rel @p2 .LBB2_5-.Ltmp5, $4  }
0xc3: {  	s0 =	sadd.s32 s5, s0;
	[sflag:s14] =	ssyncadd.s32 $0xFFFFF800  }
0xc4: {  	[hbm4b:s0+s15] =	stream.linear.scatter [tilespmem:s17], [sflag:$0x1], $0x800, $0x38;
	[tilespmem:$0x1C300] =	vst v63  }
0xc5: {  	s9 =	sadd.s32 $0x800, s9;
	_ =	swait.ge [sflag:s14], $0x800  }
0xc6: {  	s0 =	sshrl.u32 s9, $0x3;
	[sflag:s14] =	ssyncset.done $0x0  }
.LBB2_6:
0xc7: {  	s7 =	sadd.s32 s1, s0;
	[sflag:s14] =	ssyncadd.s32 @p1 $0xFFFFF800  }
0xc8: {  	[tilespmem:s17], [sflag:$0x1] =	stream.linear.gather [hbm4b:s7+s15], $0x800, $0x38;
	[tilespmem:$0x1C300] =	vst v63  }
0xc9: {  	_ =	swait.ge [sflag:s14], $0x800  }
0xca: {  	[sflag:s14] =	ssyncset.done $0x0  }
0xcb: {  	s30 =	sadd.s32 s5, s0;
	[sflag:s14] =	ssyncadd.s32 $0xFFFFF800  }
0xcc: {  	[hbm4b:s30+s15] =	stream.linear.scatter [tilespmem:s17], [sflag:$0x1], $0x800, $0x38;
	[tilespmem:$0x1C300] =	vst v63  }
0xcd: {  	_ =	swait.ge [sflag:s14], $0x800  }
0xce: {  	[sflag:s14] =	ssyncset.done $0x0  }
0xcf: {  	[sflag:s14] =	ssyncadd.s32 $0xFFFFF800  }
0xd0: {  	_ =	swait.ge [sflag:s10], $0x4000  }
0xd1: {  	[sflag:s10] =	ssyncset.done $0x0  }
0xd2: {  	[sflag:s10] =	ssyncadd.s32 $0xFFFFC000  }
0xd3: {  	_ =	swait.ge [sflag:s10], $0xC30  }
0xd4: {  	[sflag:s10] =	ssyncset.done $0x0  }
0xd5: {  	[sflag:s10] =	ssyncadd.s32 $0xFFFFF3D0  }
0xd6: {  	_ =	swait.ge [sflag:s10], $0x10  }
0xd7: {  	[sflag:s10] =	ssyncset.done $0x0  }
0xd8: {  	s0 =	simm.s32 $0xAA00;
	s7 =	smov.u32 s20;
	[sflag:s10] =	ssyncadd.s32 $0xFFFFFFF0  }
.LBB2_7:
0xd9: {  	p1 =	sne.s32 s7, $0x1  }
.Ltmp6:
0xda: {  	_ = 	snop;
	(pc) =	sbr.rel @p1 .LBB2_7-.Ltmp6, $2  }
0xdb: {  	_ =	sdelay $0x2  }
0xdc: {  	[tilespmem:s0+$0x0] =	vst v3;
	s0 =	sadd.s32 $0x10, s0;
	s7 =	sadd.s32 $0xFFFFFFFF, s7  }
0xdd: {  	s26 =	simm.s32 $0x0;
	s9 =	simm.s32 $0x20;
	s23 =	simm.s32 $0x0  }
.LBB2_9:
0xde: {  	v6 =	vld [tilespmem:s9+$0xFFFFFFE0];
	_ =	sdelay $0x4  }
0xdf: {  	v7 =	vsub.s32 v6, v0  }
0xe0: {  	vm0 =	vlt.u32 v7, v1  }
0xe1: {  	v6 =	vnsel vm0, $0xFFFFFFFF, v6  }
0xe2: {  	(xrf1) =	vunique.msk.u32 $0xffff, v6;
	_ =	sdelay $0xd  }
0xe3: {  	vm2 =	vgt.s32 v7, $0x0;
	_, v6, vm1 =	vpop (xrf1)  }
0xe4: {  	v6 =	vnsel vm2, $0x0, v7;
	vm0 =	vmand vm0, vm1  }
0xe5: {  	v6 =	vmin.u32 v2, v6;
	_ =	sdelay $0x3  }
0xe6: {  	s28 =	simm.s32 $0xAA00;
	v7 =	vor.u32 s23, v4  }
0xe7: {  	[tilespmem:v6+s28+$0x0] =	vst.idx.msk vm0, v7  }
0xe8: {  	v6 =	vld [tilespmem:s9+$0xFFFFFFF0];
	_ =	sdelay $0x4  }
0xe9: {  	v7 =	vsub.s32 v6, v0  }
0xea: {  	vm7 =	vlt.u32 v7, v1  }
0xeb: {  	v6 =	vnsel vm7, $0xFFFFFFFF, v6  }
0xec: {  	(xrf1) =	vunique.msk.u32 $0xffff, v6;
	_ =	sdelay $0xd  }
0xed: {  	vm9 =	vgt.s32 v7, $0x0;
	_, v6, vm8 =	vpop (xrf1)  }
0xee: {  	v6 =	vnsel vm9, $0x0, v7;
	vm0 =	vmand vm7, vm8  }
0xef: {  	v6 =	vmin.u32 v2, v6;
	_ =	sdelay $0x2  }
0xf0: {  	s0 =	sadd.s32 $0x10, s23  }
0xf1: {  	v7 =	vor.u32 s0, v4  }
0xf2: {  	[tilespmem:v6+s28+$0x0] =	vst.idx.msk vm0, v7  }
0xf3: {  	v6 =	vld [tilespmem:s9+$0x0];
	_ =	sdelay $0x4  }
0xf4: {  	v7 =	vsub.s32 v6, v0  }
0xf5: {  	vm10 =	vlt.u32 v7, v1  }
0xf6: {  	v6 =	vnsel vm10, $0xFFFFFFFF, v6  }
0xf7: {  	(xrf1) =	vunique.msk.u32 $0xffff, v6;
	_ =	sdelay $0xd  }
0xf8: {  	vm12 =	vgt.s32 v7, $0x0;
	_, v6, vm11 =	vpop (xrf1)  }
0xf9: {  	v6 =	vnsel vm12, $0x0, v7;
	vm0 =	vmand vm10, vm11  }
0xfa: {  	v6 =	vmin.u32 v2, v6;
	_ =	sdelay $0x2  }
0xfb: {  	s29 =	sadd.s32 $0x20, s23  }
0xfc: {  	v7 =	vor.u32 s29, v4  }
0xfd: {  	[tilespmem:v6+s28+$0x0] =	vst.idx.msk vm0, v7  }
0xfe: {  	v6 =	vld [tilespmem:s9+$0x10];
	_ =	sdelay $0x4  }
0xff: {  	v7 =	vsub.s32 v6, v0  }
0x100: {  	vm13 =	vlt.u32 v7, v1  }
0x101: {  	v6 =	vnsel vm13, $0xFFFFFFFF, v6  }
0x102: {  	(xrf1) =	vunique.msk.u32 $0xffff, v6;
	_ =	sdelay $0xd  }
0x103: {  	vm15 =	vgt.s32 v7, $0x0;
	_, v6, vm14 =	vpop (xrf1)  }
0x104: {  	v6 =	vnsel vm15, $0x0, v7;
	vm0 =	vmand vm13, vm14  }
0x105: {  	p1 =	sne.s32 s23, $0x3FC0;
	v6 =	vmin.u32 v2, v6  }
.Ltmp7:
0x106: {  	_ = 	snop;
	(pc) =	sbr.rel @p1 .LBB2_9-.Ltmp7, $4  }
0x107: {  	_ = 	snop  }
0x108: {  	s30 =	sadd.s32 $0x30, s23  }
0x109: {  	v7 =	vor.u32 s30, v4  }
0x10a: {  	s23 =	sadd.s32 $0x40, s23;
	s9 =	sadd.s32 $0x40, s9;
	[tilespmem:v6+s28+$0x0] =	vst.idx.msk vm0, v7  }
0x10b: {  	p2 =	sne.s32 s20, $0x1  }
.Ltmp8:
0x10c: {  	_ = 	snop;
	(pc) =	sbr.rel @!p2 .LBB2_11-.Ltmp8, $2  }
0x10d: {  	_ =	sdelay $0x2  }
0x10e: {  	v6 =	vld [tilespmem:s28+$0x0];
	s0 =	sadd.s32 $0xFFFFFFFF, s20;
	p1 =	por $0x0, $0x0  }
0x10f: {  	_ =	sdelay $0x3  }
0x110: {  	vm0 =	vgt.s32 v6, $0xFFFFFFFF  }
0x111: {  	v7 =	vsel vm0, $0x1, v5  }
0x112: {  	(xrf0) =	vadd.scan.msk.s32 $0xffff, v7;
	_ =	sdelay $0x2  }
0x113: {  	v7 =	vmov s26  }
0x114: {  	v7 =	vadd.s32 $0xFFFFFFFF, v7  }
0x115: {  	v7 =	vbroadcast v7, $0x0  }
0x116: {  	v8, _, _ =	vpop (xrf0)  }
0x117: {  	v7 =	vadd.s32 v8, v7;
	(v2sf) =	vpush v8, $0xF  }
0x118: {  	vm1 =	vgt.s32 v7, $0x0  }
0x119: {  	v7 =	vnsel vm1, $0x0, v7;
	_ =	sdelay $0x1  }
0x11a: {  	p2 =	sne.s32 s0, $0x1  }
.Ltmp9:
0x11b: {  	_ = 	snop;
	(pc) =	sbr.rel @!p2 .LBB2_13-.Ltmp9, $4  }
0x11c: {  	_ = 	snop  }
0x11d: {  	[tilespmem:v7+s11+$0x0] =	vst.idx.msk vm0, v6;
	v6 =	vor.u32 s3, v4  }
0x11e: {  	s9 =	sadd.s32 $0x10, s28;
	s23 =	sadd.s32 $0xFFFFFFFF, s0;
	[tilespmem:v7+s22+$0x0] =	vst.idx.msk vm0, v6  }
0x11f: {  	p1 =	por $0x1, $0x1;
	s29 =	simm.s32 $0x0;
	s28 =	smov.u32 s3;
	v6 =	vld [tilespmem:s9+$0x0]  }
.LBB2_14:
0x120: {  	p2 =	sne.s32 s23, $0x1;
	_ =	sdelay $0x3  }
0x121: {  	vm0 =	vgt.s32 v6, $0xFFFFFFFF  }
0x122: {  	v7 =	vsel vm0, $0x1, v5;
	s0 =	spop (v2sf)  }
0x123: {  	(xrf0) =	vadd.scan.msk.s32 $0xffff, v7;
	s29 =	sadd.s32 s29, s0  }
0x124: {  	v7 =	vmov s29  }
0x125: {  	v7 =	vadd.s32 $0xFFFFFFFF, v7  }
0x126: {  	v7 =	vbroadcast v7, $0x0;
	_ =	sdelay $0x2  }
0x127: {  	v8, _, _ =	vpop (xrf0)  }
0x128: {  	v7 =	vadd.s32 v8, v7;
	(v2sf) =	vpush v8, $0xF  }
0x129: {  	vm1 =	vgt.s32 v7, $0x0  }
0x12a: {  	v7 =	vnsel vm1, $0x0, v7;
	_ =	sdelay $0x2  }
.Ltmp10:
0x12b: {  	(pc) =	sbr.rel @p2 .LBB2_14-.Ltmp10, $4  }
0x12c: {  	s28 =	sadd.s32 $0x10, s28  }
0x12d: {  	[tilespmem:v7+s11+$0x0] =	vst.idx.msk vm0, v6;
	v6 =	vor.u32 s28, v4  }
0x12e: {  	s9 =	sadd.s32 $0x10, s9;
	[tilespmem:v7+s22+$0x0] =	vst.idx.msk vm0, v6  }
0x12f: {  	s23 =	sadd.s32 $0xFFFFFFFF, s23;
	v6 =	vld [tilespmem:s9+$0x0]  }
.LBB2_15:
0x130: {  	_ =	sdelay $0x3  }
0x131: {  	vm0 =	vgt.s32 v6, $0xFFFFFFFF  }
0x132: {  	v7 =	vsel vm0, $0x1, v5  }
0x133: {  	(xrf0) =	vadd.scan.msk.s32 $0xffff, v7;
	_ =	sdelay $0x5  }
0x134: {  	v7, _, _ =	vpop (xrf0)  }
0x135: {  	(v2sf) =	vpush v7, $0xF;
	_ =	sdelay $0x7  }
0x136: {  	s0 =	spop @p1 (v2sf)  }
0x137: {  	s0 =	sadd.s32 @p1 s29, s0  }
0x138: {  	s26 =	smov.u32 @p1 s0  }
0x139: {  	v8 =	vmov s26  }
0x13a: {  	v8 =	vadd.s32 $0xFFFFFFFF, v8  }
0x13b: {  	v8 =	vbroadcast v8, $0x0;
	_ =	sdelay $0x1  }
0x13c: {  	v7 =	vadd.s32 v7, v8;
	s29 =	spop (v2sf)  }
0x13d: {  	vm1 =	vgt.s32 v7, $0x0;
	s0 =	sadd.s32 s26, s29  }
0x13e: {  	v7 =	vnsel vm1, $0x0, v7;
	p2 =	slt.s32 s0, $0x1  }
0x13f: {  	s7 =	sadd.s32 @!p2 $0xFFFFFFFF, s0  }
0x140: {  	v8 =	vmov @!p2 s7  }
0x141: {  	s9 =	smov.u32 s3;
	s7 =	sadd.s32 @p1 $0x10, s28  }
0x142: {  	s9 =	smov.u32 @p1 s7  }
0x143: {  	[tilespmem:v7+s11+$0x0] =	vst.idx.msk vm0, v6;
	v6 =	vor.u32 s9, v4  }
0x144: {  	s7 =	simm.s32 @!p2 $0x8000;
	[tilespmem:v7+s22+$0x0] =	vst.idx.msk vm0, v6;
	v6 =	vlaneseq.u32 @!p2  }
0x145: {  	s9 =	simm.s32 @!p2 $0x8D00;
	v9 =	vadd.s32 @!p2 s0, v6;
	v7 =	vld.idx.msk @!p2 [tilespmem:v8+s7+$0x0], $0xffff  }
0x146: {  	s23 =	sadd.s32 @!p2 $0x10, s0;
	v8 =	vld.idx.msk @!p2 [tilespmem:v8+s9+$0x0], $0xffff  }
0x147: {  	v10 =	vadd.s32 @!p2 s23, v6  }
0x148: {  	s23 =	sadd.s32 @!p2 $0x20, s0  }
0x149: {  	v11 =	vadd.s32 @!p2 s23, v6  }
0x14a: {  	s23 =	sadd.s32 @!p2 $0x30, s0;
	[tilespmem:v9+s7+$0x0] =	vst.idx.msk @!p2 $0xffff, v7  }
0x14b: {  	[tilespmem:v9+s9+$0x0] =	vst.idx.msk @!p2 $0xffff, v8;
	v9 =	vadd.s32 @!p2 s23, v6  }
0x14c: {  	s23 =	sadd.s32 @!p2 $0x40, s0;
	[tilespmem:v10+s7+$0x0] =	vst.idx.msk @!p2 $0xffff, v7  }
0x14d: {  	s26 =	sadd.s32 $0x7F, s0;
	[tilespmem:v10+s9+$0x0] =	vst.idx.msk @!p2 $0xffff, v8;
	v10 =	vadd.s32 @!p2 s23, v6  }
0x14e: {  	s30 =	sand.u32 $0x7F, s26;
	s29 =	sshra.s32 s26, $0x1F;
	s23 =	sadd.s32 @!p2 $0x50, s0;
	[tilespmem:v11+s7+$0x0] =	vst.idx.msk @!p2 $0xffff, v7  }
0x14f: {  	p6 =	slt.s32 s26, $0x1;
	p3 =	sne.s32 s30, $0x0;
	s30 =	sshrl.u32 s29, $0x19;
	[tilespmem:v11+s9+$0x0] =	vst.idx.msk @!p2 $0xffff, v8;
	v11 =	vadd.s32 @!p2 s23, v6  }
0x150: {  	p1 =	por !p6, !p3;
	s23 =	sadd.s32 @!p2 $0x60, s0;
	s0 =	sadd.s32 @!p2 $0x70, s0;
	[tilespmem:v9+s7+$0x0] =	vst.idx.msk @!p2 $0xffff, v7  }
0x151: {  	p1 =	por !p1, !p1;
	[tilespmem:v9+s9+$0x0] =	vst.idx.msk @!p2 $0xffff, v8;
	v9 =	vadd.s32 @!p2 s23, v6;
	v6 =	vadd.s32 @!p2 s0, v6;
	s0 =	sadd.s32 s30, s26;
	s23 =	simm.s32 $0x1  }
0x152: {  	[tilespmem:v10+s7+$0x0] =	vst.idx.msk @!p2 $0xffff, v7;
	s0 =	sshra.s32 s0, $0x7;
	s23 =	simm.s32 @!p1 $0x0  }
0x153: {  	[tilespmem:v10+s9+$0x0] =	vst.idx.msk @!p2 $0xffff, v8;
	s26 =	ssub.s32 s0, s23  }
0x154: {  	[tilespmem:v11+s7+$0x0] =	vst.idx.msk @!p2 $0xffff, v7;
	p3 =	slt.s32 s26, $0x1  }
.Ltmp11:
0x155: {  	[tilespmem:v11+s9+$0x0] =	vst.idx.msk @!p2 $0xffff, v8;
	(pc) =	sbr.rel @p3 .LBB2_36-.Ltmp11, $4  }
0x156: {  	[tilespmem:v9+s7+$0x0] =	vst.idx.msk @!p2 $0xffff, v7  }
0x157: {  	[tilespmem:v9+s9+$0x0] =	vst.idx.msk @!p2 $0xffff, v8  }
0x158: {  	[tilespmem:v6+s7+$0x0] =	vst.idx.msk @!p2 $0xffff, v7  }
0x159: {  	[tilespmem:v6+s9+$0x0] =	vst.idx.msk @!p2 $0xffff, v8  }
0x15a: {  	s7 =	simm.s32 $0xFFFFFFFF  }
0x15b: {  	s7 =	simm.s32 @!p1 $0x0  }
0x15c: {  	s0 =	sshll.u32 s0, $0x3;
	s7 =	sshll.u32 s7, $0x3  }
0x15d: {  	s23 =	sadd.s32 s7, s0  }
0x15e: {  	p2 =	seq.s32 s23, $0x1  }
.Ltmp12:
0x15f: {  	_ = 	snop;
	(pc) =	sbr.rel @p2 .LBB2_17-.Ltmp12, $3  }
0x160: {  	_ =	sdelay $0x1  }
0x161: {  	s28 =	simm.s32 $0x0;
	s29 =	simm.s32 $0x8000  }
0x162: {  	s9 =	simm.s32 $0x8D00;
	s30 =	simm.s32 $0x1;
	p1 =	por $0x0, $0x0  }
0x163: {  	s0 =	simm.s32 $0x0  }
0x164: {  	v6 =	vld [tilespmem:s9+$0x0];
	s7 =	sand.u32 $0x70, s28;
	s0 =	sand.u32 $0xFFFFFF80, s0  }
0x165: {  	s0 =	sor.u32 s7, s0  }
0x166: {  	v7 =	vld [tilespmem:s29+$0x0];
	v8 =	vor.u32 s0, v4;
	_ =	sdelay $0x3  }
0x167: {  	p2 =	seq.s32 s23, $0x2  }
.Ltmp13:
0x168: {  	[tilespmem:v8+s24+$0x0] =	vst.idx.msk $0xffff, v7;
	(pc) =	sbr.rel @p2 .LBB2_23-.Ltmp13, $3  }
0x169: {  	v7 =	vsub.s32 v7, v0;
	v6 =	vld.idx.msk [tilespmem:v6+s12+$0x0], $0xffff;
	_ =	sdelay $0x1  }
0x16a: {  	s29 =	simm.s32 $0x8010;
	s9 =	simm.s32 $0x8D10  }
0x16b: {  	p1 =	por $0x1, $0x1;
	s7 =	simm.s32 $0x2;
	s0 =	simm.s32 $0x0  }
.LBB2_24:
0x16c: {  	s21 =	sshll.u32 s30, $0x4  }
0x16d: {  	[tilespmem:v7+s13+$0x0] =	vst.idx.msk $0xffff, v6;
	s0 =	sadd.s32 $0x10, s0;
	s30 =	smov.u32 s7;
	s7 =	sadd.s32 $0x1, s7  }
0x16e: {  	p2 =	seq.s32 s23, s7;
	v6 =	vld [tilespmem:s9+$0x0];
	s16 =	sand.u32 $0x70, s0;
	s21 =	sand.u32 $0xFFFFFF80, s21  }
0x16f: {  	s16 =	sor.u32 s16, s21  }
0x170: {  	v7 =	vld [tilespmem:s29+$0x0];
	v8 =	vor.u32 s16, v4;
	_ =	sdelay $0x4  }
0x171: {  	[tilespmem:v8+s24+$0x0] =	vst.idx.msk $0xffff, v7  }
0x172: {  	v6 =	vld.idx.msk [tilespmem:v6+s12+$0x0], $0xffff  }
.Ltmp14:
0x173: {  	v7 =	vsub.s32 v7, v0;
	(pc) =	sbr.rel @!p2 .LBB2_24-.Ltmp14, $2  }
0x174: {  	_ =	sdelay $0x2  }
0x175: {  	s9 =	sadd.s32 $0x10, s9;
	s29 =	sadd.s32 $0x10, s29  }
0x176: {  	s16 =	rddreg [dreg:$0x1e];
	s21 =	simm.s32 $0x80  }
.LBB2_26:
0x177: {  	_ =	sdelay $0x2  }
0x178: {  	s0 =	sadd.s32 @p1 $0x10, s0  }
0x179: {  	s7 =	sshll.u32 s30, $0x4;
	[tilespmem:v7+s13+$0x0] =	vst.idx.msk @p1 $0xffff, v6;
	s28 =	smov.u32 @p1 s0  }
0x17a: {  	v6 =	vld [tilespmem:s9+$0x0];
	s7 =	sand.u32 $0xFFFFFF80, s7;
	s0 =	sand.u32 $0x70, s28  }
0x17b: {  	s0 =	sor.u32 s0, s7  }
0x17c: {  	v7 =	vld [tilespmem:s29+$0x0];
	v8 =	vor.u32 s0, v4;
	_ =	sdelay $0x4  }
0x17d: {  	[tilespmem:v8+s24+$0x0] =	vst.idx.msk $0xffff, v7  }
0x17e: {  	v7 =	vsub.s32 v7, v0;
	v6 =	vld.idx.msk [tilespmem:v6+s12+$0x0], $0xffff;
	_ =	sdelay $0x4  }
0x17f: {  	[tilespmem:v7+s13+$0x0] =	vst.idx.msk $0xffff, v6  }
0x180: {  	[tilespmem:s17], [sflag:$0x1] =	stream.indirect.gather [hbm4b:s2+s21], $0x80, s11, s21, $0xb8;
	[tilespmem:$0x1C300] =	vst v63  }
0x181: {  	p1 =	seq.s32 s26, $0x1  }
.Ltmp15:
0x182: {  	_ = 	snop;
	(pc) =	sbr.rel @p1 .LBB2_35-.Ltmp15, $4  }
0x183: {  	_ =	swait.ge [sflag:s14], $0x4000  }
0x184: {  	[sflag:s14] =	ssyncset.done $0x0  }
0x185: {  	s0 =	simm.s32 $0x3;
	[sflag:s14] =	ssyncadd.s32 $0xFFFFC000  }
0x186: {  	[hbm4b:s5+s21] =	stream.indirect.scatter [tilespmem:s17], [sflag:$0x3], $0x80, s24, s21, $0xb8;
	[tilespmem:$0x1C300] =	vst v63  }
0x187: {  	s0 =	simm.s32 $0x8D80;
	p1 =	seq.s32 s26, $0x2  }
0x188: {  	[tilespmem:s18], [sflag:$0x2] =	stream.indirect.gather [hbm4b:s2+s21], $0x80, s0, s21, $0xb8;
	[tilespmem:$0x1C300] =	vst v63  }
.Ltmp16:
0x189: {  	s0 =	simm.s32 $0x2;
	(pc) =	sbr.rel @p1 .LBB2_33-.Ltmp16, $4  }
0x18a: {  	_ =	swait.ge [sflag:s0], $0x4000  }
0x18b: {  	[sflag:s0] =	ssyncset.done $0x0  }
0x18c: {  	s7 =	simm.s32 $0x9A80;
	[sflag:s0] =	ssyncadd.s32 $0xFFFFC000  }
0x18d: {  	[hbm4b:s5+s21] =	stream.indirect.scatter [tilespmem:s18], [sflag:$0x4], $0x80, s7, s21, $0xb8;
	[tilespmem:$0x1C300] =	vst v63  }
0x18e: {  	p1 =	sne.s32 s26, $0x3  }
.Ltmp17:
0x18f: {  	_ = 	snop;
	(pc) =	sbr.rel @!p1 .LBB2_21-.Ltmp17, $3  }
0x190: {  	_ =	sdelay $0x1  }
0x191: {  	s28 =	simm.s32 $0x9B00;
	s29 =	simm.s32 $0x8E00;
	s0 =	sand.u32 $0x1, s0  }
0x192: {  	s9 =	simm.s32 $0x3;
	p2 =	por $0x0, $0x0;
	p3 =	seq.s32 s0, $0x1  }
0x193: {  	s0 =	simm.s32 @p3 $0x4  }
0x194: {  	_ =	swait.ge @p3 [sflag:s0], $0x4000  }
0x195: {  	s7 =	simm.s32 @p3 $0x2;
	p1 =	por p3, p3;
	[sflag:s0] =	ssyncset.done @p3 $0x0  }
0x196: {  	s16 =	simm.s32 @p1 $0x14300;
	[sflag:s0] =	ssyncadd.s32 @p1 $0xFFFFC000;
	s0 =	simm.s32 @p1 $0x80  }
0x197: {  	[tilespmem:s16], [sflag:$0x2] =	stream.indirect.gather @p1 [hbm4b:s2+s0], $0x80, s29, s0, $0xb8;
	[tilespmem:$0x1C300] =	vst v63  }
0x198: {  	_ =	swait.ge @p1 [sflag:s7], $0x4000  }
0x199: {  	[sflag:s7] =	ssyncset.done @p1 $0x0  }
0x19a: {  	s30 =	simm.s32 $0x4;
	[sflag:s7] =	ssyncadd.s32 @p1 $0xFFFFC000;
	s7 =	simm.s32 @!p1 $0x3  }
0x19b: {  	[hbm4b:s5+s0] =	stream.indirect.scatter @p1 [tilespmem:s16], [sflag:$0x4], $0x80, s28, s0, $0xb8;
	[tilespmem:$0x1C300] =	vst v63  }
0x19c: {  	p4 =	sne.s32 s26, $0x4;
	s9 =	sand.u32 $0x1, s9;
	_ =	swait.ge @!p1 [sflag:s7], $0x4000  }
.Ltmp18:
0x19d: {  	s23 =	simm.s32 @!p1 $0xC300;
	[sflag:s7] =	ssyncset.done @!p1 $0x0;
	(pc) =	sbr.rel @!p4 .LBB2_28-.Ltmp18, $4  }
0x19e: {  	s0 =	simm.s32 @!p1 $0x1;
	[sflag:s7] =	ssyncadd.s32 @!p1 $0xFFFFC000;
	s7 =	simm.s32 @!p1 $0x80  }
0x19f: {  	[tilespmem:s23], [sflag:$0x1] =	stream.indirect.gather @!p1 [hbm4b:s2+s7], $0x80, s29, s7, $0xb8;
	[tilespmem:$0x1C300] =	vst v63  }
0x1a0: {  	p2 =	por $0x1, $0x1;
	p3 =	seq.s32 s9, $0x1;
	_ =	swait.ge @!p1 [sflag:s0], $0x4000  }
0x1a1: {  	s9 =	simm.s32 $0x9B80;
	s29 =	simm.s32 $0x8E80;
	[sflag:s0] =	ssyncset.done @!p1 $0x0  }
.LBB2_29:
0x1a2: {  	s16 =	simm.s32 @p3 $0x4  }
0x1a3: {  	[sflag:s0] =	ssyncadd.s32 @!p1 $0xFFFFC000;
	s21 =	smov.u32 s30;
	s30 =	sadd.s32 $0x1, s30  }
0x1a4: {  	[hbm4b:s5+s7] =	stream.indirect.scatter @!p1 [tilespmem:s23], [sflag:$0x3], $0x80, s28, s7, $0xb8;
	[tilespmem:$0x1C300] =	vst v63  }
0x1a5: {  	p4 =	sne.s32 s26, s30;
	s28 =	smov.u32 s9;
	_ =	swait.ge @p3 [sflag:s16], $0x4000  }
0x1a6: {  	s0 =	simm.s32 @p3 $0x2;
	p1 =	por p3, p3;
	[sflag:s16] =	ssyncset.done @p3 $0x0  }
0x1a7: {  	s7 =	simm.s32 @p1 $0x80;
	[sflag:s16] =	ssyncadd.s32 @p1 $0xFFFFC000;
	s16 =	simm.s32 @p1 $0x14300  }
0x1a8: {  	[tilespmem:s16], [sflag:$0x2] =	stream.indirect.gather @p1 [hbm4b:s2+s7], $0x80, s29, s7, $0xb8;
	[tilespmem:$0x1C300] =	vst v63  }
0x1a9: {  	_ =	swait.ge @p1 [sflag:s0], $0x4000  }
0x1aa: {  	[sflag:s0] =	ssyncset.done @p1 $0x0  }
0x1ab: {  	s23 =	simm.s32 @!p1 $0x3;
	[sflag:s0] =	ssyncadd.s32 @p1 $0xFFFFC000  }
0x1ac: {  	[hbm4b:s5+s7] =	stream.indirect.scatter @p1 [tilespmem:s16], [sflag:$0x4], $0x80, s9, s7, $0xb8;
	[tilespmem:$0x1C300] =	vst v63  }
0x1ad: {  	_ =	swait.ge @!p1 [sflag:s23], $0x4000  }
.Ltmp19:
0x1ae: {  	s0 =	simm.s32 @!p1 $0x1;
	[sflag:s23] =	ssyncset.done @!p1 $0x0;
	(pc) =	sbr.rel @p4 .LBB2_29-.Ltmp19, $4  }
0x1af: {  	s7 =	simm.s32 @!p1 $0x80;
	[sflag:s23] =	ssyncadd.s32 @!p1 $0xFFFFC000;
	s23 =	simm.s32 @!p1 $0xC300  }
0x1b0: {  	[tilespmem:s23], [sflag:$0x1] =	stream.indirect.gather @!p1 [hbm4b:s2+s7], $0x80, s29, s7, $0xb8;
	[tilespmem:$0x1C300] =	vst v63  }
0x1b1: {  	s16 =	sand.u32 $0x1, s21;
	s29 =	sadd.s32 $0x80, s29;
	_ =	swait.ge @!p1 [sflag:s0], $0x4000  }
0x1b2: {  	s9 =	sadd.s32 $0x80, s9;
	p3 =	seq.s32 s16, $0x1;
	[sflag:s0] =	ssyncset.done @!p1 $0x0  }
0x1b3: {  	s30 =	smov.u32 s28  }
0x1b4: {  	s28 =	smov.u32 s9;
	s16 =	rddreg [dreg:$0x1e];
	s21 =	simm.s32 $0x80  }
.LBB2_31:
0x1b5: {  	p1 =	por p1, !p2  }
0x1b6: {  	s9 =	simm.s32 @p3 $0x4;
	[sflag:s0] =	ssyncadd.s32 @!p1 $0xFFFFC000  }
0x1b7: {  	[hbm4b:s5+s7] =	stream.indirect.scatter @!p1 [tilespmem:s23], [sflag:$0x3], $0x80, s30, s7, $0xb8;
	[tilespmem:$0x1C300] =	vst v63  }
0x1b8: {  	_ =	swait.ge @p3 [sflag:s9], $0x4000  }
0x1b9: {  	s0 =	simm.s32 @p3 $0x2;
	p1 =	por p3, p3;
	[sflag:s9] =	ssyncset.done @p3 $0x0  }
0x1ba: {  	s7 =	simm.s32 @p1 $0x80;
	[sflag:s9] =	ssyncadd.s32 @p1 $0xFFFFC000;
	s9 =	simm.s32 @p1 $0x14300  }
0x1bb: {  	[tilespmem:s9], [sflag:$0x2] =	stream.indirect.gather @p1 [hbm4b:s2+s7], $0x80, s29, s7, $0xb8;
	[tilespmem:$0x1C300] =	vst v63  }
0x1bc: {  	_ =	swait.ge @p1 [sflag:s0], $0x4000  }
0x1bd: {  	[sflag:s0] =	ssyncset.done @p1 $0x0  }
0x1be: {  	[sflag:s0] =	ssyncadd.s32 @p1 $0xFFFFC000;
	s0 =	simm.s32 @!p1 $0x3  }
0x1bf: {  	[hbm4b:s5+s7] =	stream.indirect.scatter @p1 [tilespmem:s9], [sflag:$0x4], $0x80, s28, s7, $0xb8;
	[tilespmem:$0x1C300] =	vst v63  }
0x1c0: {  	_ =	swait.ge @!p1 [sflag:s0], $0x4000  }
0x1c1: {  	s7 =	simm.s32 @!p1 $0x1;
	[sflag:s0] =	ssyncset.done @!p1 $0x0  }
0x1c2: {  	s9 =	simm.s32 @!p1 $0xC300;
	[sflag:s0] =	ssyncadd.s32 @!p1 $0xFFFFC000;
	s0 =	simm.s32 @!p1 $0x80  }
0x1c3: {  	[tilespmem:s9], [sflag:$0x1] =	stream.indirect.gather @!p1 [hbm4b:s2+s0], $0x80, s29, s0, $0xb8;
	[tilespmem:$0x1C300] =	vst v63  }
0x1c4: {  	_ =	swait.ge @!p1 [sflag:s7], $0x4000  }
0x1c5: {  	[sflag:s7] =	ssyncset.done @!p1 $0x0  }
0x1c6: {  	s30 =	sand.u32 $0x1, s26;
	[sflag:s7] =	ssyncadd.s32 @!p1 $0xFFFFC000  }
0x1c7: {  	[hbm4b:s5+s0] =	stream.indirect.scatter @!p1 [tilespmem:s9], [sflag:$0x3], $0x80, s28, s0, $0xb8;
	[tilespmem:$0x1C300] =	vst v63  }
0x1c8: {  	p1 =	seq.s32 s30, $0x1  }
.Ltmp20:
0x1c9: {  	_ = 	snop;
	(pc) =	sbr.rel @!p1 .LBB2_33-.Ltmp20, $1  }
0x1ca: {  	_ =	sdelay $0x3  }
.Ltmp21:
0x1cb: {  	(pc) =	sbr.rel .LBB2_34-.Ltmp21, $2  }
0x1cc: {  	_ =	sdelay $0x2  }
0x1cd: {  	s0 =	simm.s32 $0x3;
	s7 =	simm.s32 $0x4  }
.LBB2_11:
.Ltmp22:
0x1ce: {  	(pc) =	sbr.rel .LBB2_15-.Ltmp22, $2  }
0x1cf: {  	_ =	sdelay $0x2  }
0x1d0: {  	s29 =	simm.s32 $0x0;
	s28 =	smov.u32 s3  }
.LBB2_13:
.Ltmp23:
0x1d1: {  	(pc) =	sbr.rel .LBB2_15-.Ltmp23, $2  }
0x1d2: {  	_ =	sdelay $0x2  }
0x1d3: {  	s29 =	simm.s32 $0x0;
	s28 =	smov.u32 s3  }
.LBB2_17:
.Ltmp24:
0x1d4: {  	(pc) =	sbr.rel .LBB2_26-.Ltmp24, $2  }
0x1d5: {  	_ =	sdelay $0x2  }
0x1d6: {  	s30 =	simm.s32 $0x0;
	s0 =	simm.s32 $0x0  }
.LBB2_23:
.Ltmp25:
0x1d7: {  	(pc) =	sbr.rel .LBB2_26-.Ltmp25, $2  }
0x1d8: {  	_ =	sdelay $0x2  }
0x1d9: {  	s0 =	simm.s32 $0x0;
	s16 =	rddreg [dreg:$0x1e];
	s21 =	simm.s32 $0x80  }
.LBB2_21:
.Ltmp26:
0x1da: {  	(pc) =	sbr.rel .LBB2_31-.Ltmp26, $2  }
0x1db: {  	_ =	sdelay $0x2  }
0x1dc: {  	_ = 	snop  }
.LBB2_28:
.Ltmp27:
0x1dd: {  	(pc) =	sbr.rel .LBB2_31-.Ltmp27, $3  }
0x1de: {  	_ =	sdelay $0x1  }
0x1df: {  	s30 =	simm.s32 $0x9B00  }
0x1e0: {  	s28 =	simm.s32 $0x9B80;
	s16 =	rddreg [dreg:$0x1e];
	s21 =	simm.s32 $0x80  }
.LBB2_37:
0x1e1: {  	_ =	sfence.sel $0x180000  }
0x1e2: {  	[bflag:$0x0] =	sbarrier.arrive $0xFFFF  }
0x1e3: {  	_ =	strace $0x90000047  }
0x1e4: {  	s0 =	stileid.u32;
	[bflag:$0x2] =	sbarrier.arrive $0xFFFF  }
0x1e5: {  	p0 =	sne.s32 s0, $0x0;
	s0 =	rddreg [dreg:$0x8]  }
0x1e6: {  	s0 =	sadd.s32 @!p0 $0x100000, s0  }
0x1e7: {  	[sflag:s0] =	ssyncadd.tile.s32 @!p0 $0x1;
	_ =	shalt  }
.Lfunc_end2:
_tile_overlayer_lowered:
.L_overlay_start_2:
0x1e8: {  	(tag) =	ssettag $0x2  }
0x1e9: {  	s0 =	rddreg [dreg:$0x0];
	s2 =	stileid.u32  }
0x1ea: {  	s1 =	rddreg [dreg:$0x1];
	p0 =	sne.s32 s2, $0x0  }
0x1eb: {  	s3 =	rddreg [dreg:$0x2];
	[bflag:$0x3] =	sbarrier.arrive $0xFFFF;
	s2 =	simm.s32 @!p0 $0x1C06  }
0x1ec: {  	[timem:s3], [sflag:s2] =	dma.local @!p0 [hbm:s0], s1  }
0x1ed: {  	s0 =	simm.s32 @!p0 $0x6  }
0x1ee: {  	_ =	swait.ge @!p0 [sflag:s0], s1  }
0x1ef: {  	s1 =	ssub.s32 @!p0 $0x0, s1;
	[sflag:s0] =	ssyncset.done @!p0 $0x0  }
0x1f0: {  	[sflag:s0] =	ssyncadd.s32 @!p0 s1  }
0x1f1: {  	[bflag:$0x3] =	sbarrier.arrive $0xFFFF  }
0x1f2: {  	_ =	shalt  }

</sc_bundles>
